<compile_context>
chip_gen: v7x
topology: tpu7x:2x2x1
jax: 0.10.2.dev20260603
libtpu: 0.0.44.dev20260713+nightly
codegen_flags: <defaults>
</compile_context>

<pallas_src>
import functools

import jax
import jax.numpy as jnp
from jax import lax
from jax.experimental import pallas as pl
from jax.experimental.pallas import tpu as pltpu
from jax.experimental.pallas import tpu_sc as plsc

NC = 2
NS = 16
L = 16
NW = NC * NS
CHUNK = 128


def _round_up(v, m):
    return (v + m - 1) // m * m


def _mesh():
    return plsc.VectorSubcoreMesh(
        core_axis_name="c", subcore_axis_name="s",
        num_cores=NC, num_subcores=NS)


def _make_deg(npad, epad):
    ept = epad // NW
    nch = ept // CHUNK
    npr = npad // NS

    def body(dst_hbm, ones_hbm, zeros_hbm, deg_hbm, dchunk, onesb, deg_sh):
        cid = lax.axis_index("c")
        sid = lax.axis_index("s")
        gid = cid * NS + sid

        pltpu.sync_copy(ones_hbm, onesb)
        pltpu.sync_copy(zeros_hbm, deg_sh.at[pl.ds(sid * npr, npr)])
        plsc.subcore_barrier()

        def step(t, _):
            base = gid * ept + t * CHUNK
            pltpu.sync_copy(dst_hbm.at[pl.ds(base, CHUNK)], dchunk)
            pltpu.sync_copy(onesb, deg_sh.at[dchunk], add=True)
            return 0
        lax.fori_loop(0, nch, step, 0)
        plsc.subcore_barrier()

        pltpu.sync_copy(deg_sh.at[pl.ds(sid * npr, npr)],
                        deg_hbm.at[pl.ds(cid * npad + sid * npr, npr)])

    return pl.kernel(
        body,
        out_type=jax.ShapeDtypeStruct((NC * npad,), jnp.float32),
        mesh=_mesh(),
        scratch_types=[
            pltpu.VMEM((CHUNK,), jnp.int32),
            pltpu.VMEM((CHUNK,), jnp.float32),
            pltpu.VMEM_SHARED((npad,), jnp.float32),
        ],
    )


def _make_agg(npad, d, epad):
    ept = epad // NW
    nch = ept // CHUNK
    npr = npad // NS

    def body(y_hbm, src_hbm, dst_hbm, zeros_hbm, out_hbm,
             sidx, didx, rows, acc_sh, semg):
        cid = lax.axis_index("c")
        sid = lax.axis_index("s")
        gid = cid * NS + sid
        base0 = gid * ept

        pltpu.sync_copy(zeros_hbm, acc_sh.at[pl.ds(sid * npr, npr)])
        plsc.subcore_barrier()

        def step(t, _):
            nb = base0 + t * CHUNK
            pltpu.sync_copy(src_hbm.at[pl.ds(nb, CHUNK)], sidx)
            pltpu.sync_copy(dst_hbm.at[pl.ds(nb, CHUNK)], didx)
            pltpu.async_copy(y_hbm.at[sidx], rows, semg).wait()
            pltpu.sync_copy(rows, acc_sh.at[didx], add=True)
            return 0
        lax.fori_loop(0, nch, step, 0)
        plsc.subcore_barrier()

        pltpu.sync_copy(
            acc_sh.at[pl.ds(sid * npr, npr)],
            out_hbm.at[cid, pl.ds(sid * npr, npr)])

    return pl.kernel(
        body,
        out_type=jax.ShapeDtypeStruct((NC, npad, d), jnp.float32),
        mesh=_mesh(),
        scratch_types=(
            [pltpu.VMEM((CHUNK,), jnp.int32)] * 2
            + [pltpu.VMEM((CHUNK, d), jnp.float32),
               pltpu.VMEM_SHARED((npad, d), jnp.float32),
               pltpu.SemaphoreType.DMA]
        ),
    )


def _block_rows(n):
    for b in (1024, 1000, 800, 640, 512, 400, 256, 200, 128, 100, 80, 64, 40,
              16, 8):
        if n % b == 0:
            return b
    return n


def _mm_call(n, d, br):
    def body(x_ref, w_ref, o_ref):
        o_ref[...] = jnp.dot(x_ref[...], w_ref[...],
                             preferred_element_type=jnp.float32)
    return pl.pallas_call(
        body,
        grid=(n // br,),
        in_specs=[pl.BlockSpec((br, d), lambda i: (i, 0)),
                  pl.BlockSpec((d, d), lambda i: (0, 0))],
        out_specs=pl.BlockSpec((br, d), lambda i: (i, 0)),
        out_shape=jax.ShapeDtypeStruct((n, d), jnp.float32),
    )


def _scale_call(n, d, br):
    def body(xw_ref, d0_ref, d1_ref, o_ref):
        dinv = lax.rsqrt(d0_ref[...] + d1_ref[...] + 1.0)
        o_ref[...] = xw_ref[...] * dinv
    return pl.pallas_call(
        body,
        grid=(n // br,),
        in_specs=[pl.BlockSpec((br, d), lambda i: (i, 0)),
                  pl.BlockSpec((br, 1), lambda i: (i, 0)),
                  pl.BlockSpec((br, 1), lambda i: (i, 0))],
        out_specs=pl.BlockSpec((br, d), lambda i: (i, 0)),
        out_shape=jax.ShapeDtypeStruct((n, d), jnp.float32),
    )


def _layer2_call(n, d, br):
    def body(p0_ref, p1_ref, y1_ref, d0_ref, d1_ref, b_ref, w_ref, o_ref):
        dinv = lax.rsqrt(d0_ref[...] + d1_ref[...] + 1.0)
        h = dinv * (p0_ref[...] + p1_ref[...] + y1_ref[...]) + b_ref[...]
        h = jnp.maximum(h, 0.0)
        o_ref[...] = dinv * jnp.dot(h, w_ref[...],
                                    preferred_element_type=jnp.float32)
    return pl.pallas_call(
        body,
        grid=(n // br,),
        in_specs=[pl.BlockSpec((br, d), lambda i: (i, 0)),
                  pl.BlockSpec((br, d), lambda i: (i, 0)),
                  pl.BlockSpec((br, d), lambda i: (i, 0)),
                  pl.BlockSpec((br, 1), lambda i: (i, 0)),
                  pl.BlockSpec((br, 1), lambda i: (i, 0)),
                  pl.BlockSpec((1, d), lambda i: (0, 0)),
                  pl.BlockSpec((d, d), lambda i: (0, 0))],
        out_specs=pl.BlockSpec((br, d), lambda i: (i, 0)),
        out_shape=jax.ShapeDtypeStruct((n, d), jnp.float32),
    )


def _final_call(n, d, br):
    def body(q0_ref, q1_ref, y2_ref, d0_ref, d1_ref, b_ref, o_ref):
        dinv = lax.rsqrt(d0_ref[...] + d1_ref[...] + 1.0)
        o_ref[...] = dinv * (q0_ref[...] + q1_ref[...] + y2_ref[...]) \
            + b_ref[...]
    return pl.pallas_call(
        body,
        grid=(n // br,),
        in_specs=[pl.BlockSpec((br, d), lambda i: (i, 0)),
                  pl.BlockSpec((br, d), lambda i: (i, 0)),
                  pl.BlockSpec((br, d), lambda i: (i, 0)),
                  pl.BlockSpec((br, 1), lambda i: (i, 0)),
                  pl.BlockSpec((br, 1), lambda i: (i, 0)),
                  pl.BlockSpec((1, d), lambda i: (0, 0))],
        out_specs=pl.BlockSpec((br, d), lambda i: (i, 0)),
        out_shape=jax.ShapeDtypeStruct((n, d), jnp.float32),
    )


def kernel(x, edge_index, W1, b1, W2, b2):
    n, d = x.shape
    e = edge_index.shape[1]
    npad = _round_up(n + 1, NS * 8)
    npad_deg = _round_up(n + 1, NS * CHUNK)
    epad = _round_up(e, NW * CHUNK)
    nch = epad // (NW * CHUNK)
    br = _block_rows(n)

    pad = epad - e
    srcp = jnp.concatenate(
        [edge_index[0], jnp.zeros((pad,), edge_index.dtype)])
    dstp = jnp.concatenate(
        [edge_index[1], jnp.full((pad,), n, edge_index.dtype)])
    ones_blk = jnp.ones((CHUNK,), jnp.float32)
    zeros_1d = jnp.zeros((npad_deg // NS,), jnp.float32)
    zeros_2d = jnp.zeros((npad // NS, d), jnp.float32)
    deg = _make_deg(npad_deg, epad)(dstp, ones_blk, zeros_1d)
    deg = deg.reshape(NC, npad_deg)
    d0 = deg[0, :n].reshape(n, 1)
    d1 = deg[1, :n].reshape(n, 1)

    agg = _make_agg(npad, d, epad)
    mm = _mm_call(n, d, br)
    scale = _scale_call(n, d, br)
    layer2 = _layer2_call(n, d, br)
    final = _final_call(n, d, br)

    xw1 = mm(x, W1)
    y1 = scale(xw1, d0, d1)
    a1 = agg(y1, srcp, dstp, zeros_2d)
    y2 = layer2(a1[0, :n], a1[1, :n], y1, d0, d1, b1.reshape(1, d), W2)
    a2 = agg(y2, srcp, dstp, zeros_2d)
    out = final(a2[0, :n], a2[1, :n], y2, d0, d1, b2.reshape(1, d))
    return out

# --- scband reference (transcript-rebuilt; emitter-appended) ---
"""Pipeline reference for scband-gcn-5858335392232 (READ-ONLY COPY).

The authoritative reference and input builder live on the scoring server;
editing this copy changes nothing except your own understanding.
"""

import jax, jax.numpy as jnp
import numpy as np

N = 10000
E = 320000
D = 128


def setup_inputs(seed: int = 0) -> dict:
    key = jax.random.key(seed)
    k1, k2, k3, k4 = jax.random.split(key, 4)
    x = jax.random.normal(k1, (N, D), dtype=jnp.float32)
    edge_index = jax.random.randint(k2, (2, E), 0, N, dtype=jnp.int32)
    s = 1.0 / np.sqrt(D)
    W1 = jax.random.uniform(k3, (D, D), minval=-s, maxval=s, dtype=jnp.float32)
    b1 = jnp.zeros((D,), dtype=jnp.float32)
    W2 = jax.random.uniform(k4, (D, D), minval=-s, maxval=s, dtype=jnp.float32)
    b2 = jnp.zeros((D,), dtype=jnp.float32)
    return {"x": x, "edge_index": edge_index, "W1": W1, "b1": b1, "W2": W2, "b2": b2}


def _gcn_conv(x, src, dst, norm, W, b, n):
    # GCNConv: linear transform, then normalized sum aggregation at dst, then bias
    xw = x @ W
    msg = xw[src] * norm[:, None]
    out = jax.ops.segment_sum(msg, dst, num_segments=n)
    return out + b


def reference(x, edge_index, W1, b1, W2, b2):
    n = x.shape[0]
    loop = jnp.arange(n, dtype=edge_index.dtype)
    src = jnp.concatenate([edge_index[0], loop])
    dst = jnp.concatenate([edge_index[1], loop])
    # symmetric normalization: deg from dst (with self loops), norm = d^-1/2[src]*d^-1/2[dst]
    deg = jnp.zeros((n,), dtype=jnp.float32).at[dst].add(1.0)
    dinv = jnp.where(deg > 0, jax.lax.rsqrt(deg), 0.0)
    norm = dinv[src] * dinv[dst]
    h = _gcn_conv(x, src, dst, norm, W1, b1, n)
    h = jax.nn.relu(h)
    # dropout p=0.0 -> identity
    h = _gcn_conv(h, src, dst, norm, W2, b2, n)
    return h

if __name__ == "__main__":
    import jax
    _d = setup_inputs()
    print(jax.jit(kernel)(*tuple(_d.values())))

</pallas_src>

<mosaic_0001>
#map = affine_map<(d0, d1) -> (0)>
module attributes {stable_mosaic.version = 14 : i64} {
  func.func @body(%arg0: i32, %arg1: i32, %arg2: memref<323584xi32, #tpu.memory_space<hbm>>, %arg3: memref<128xf32, #tpu.memory_space<hbm>>, %arg4: memref<640xf32, #tpu.memory_space<hbm>>, %arg5: memref<20480xf32, #tpu.memory_space<hbm>>, %arg6: memref<128xi32, #tpu.memory_space<vmem>>, %arg7: memref<128xf32, #tpu.memory_space<vmem>>, %arg8: memref<10240xf32, #tpu.memory_space<vmem_shared>>) attributes {dimension_semantics = [#tpu.dimension_semantics<core_parallel>, #tpu.dimension_semantics<subcore_parallel>], iteration_bounds = array<i64: 2, 16>, scalar_prefetch = 0 : i64, scratch_operands = 3 : i64, tpu.core_type = #tpu.core_type<sc_vector_subcore>, window_params = [{transform_indices = #map}, {transform_indices = #map}, {transform_indices = #map}, {transform_indices = #map}]} {
    %mul3A = arith.constant 16 : i32
    %mul3A_0 = arith.muli %arg0, %mul3A : i32
    %add3A = arith.addi %mul3A_0, %arg1 : i32
    "tpu.region"() ({
      %run_scoped3A = tpu.sem_alloc : memref<!tpu.dma_semaphore, #tpu.memory_space<semaphore_mem>>
      tpu.enqueue_dma source(%arg3 : memref<128xf32, #tpu.memory_space<hbm>>) target(%arg7 : memref<128xf32, #tpu.memory_space<vmem>>) target_semaphore(%run_scoped3A : memref<!tpu.dma_semaphore, #tpu.memory_space<semaphore_mem>>)
      tpu.wait_dma2 semaphore(%run_scoped3A : memref<!tpu.dma_semaphore, #tpu.memory_space<semaphore_mem>>) src(%arg3 : memref<128xf32, #tpu.memory_space<hbm>>) dst(%arg7 : memref<128xf32, #tpu.memory_space<vmem>>)
      tpu.yield
    }) : () -> ()
    %mul3A_1 = arith.constant 640 : i32
    %mul3A_2 = arith.muli %arg1, %mul3A_1 : i32
    "tpu.region"() ({
      %run_scoped3A = tpu.sem_alloc : memref<!tpu.dma_semaphore, #tpu.memory_space<semaphore_mem>>
      %dma_start3A = tpu.memref_slice %arg8[%mul3A_2] : memref<10240xf32, #tpu.memory_space<vmem_shared>> -> memref<640xf32, #tpu.memory_space<vmem_shared>>
      tpu.enqueue_dma source(%arg4 : memref<640xf32, #tpu.memory_space<hbm>>) target(%dma_start3A : memref<640xf32, #tpu.memory_space<vmem_shared>>) target_semaphore(%run_scoped3A : memref<!tpu.dma_semaphore, #tpu.memory_space<semaphore_mem>>)
      %dma_wait3A = tpu.memref_slice %arg8[%mul3A_2] : memref<10240xf32, #tpu.memory_space<vmem_shared>> -> memref<640xf32, #tpu.memory_space<vmem_shared>>
      tpu.wait_dma2 semaphore(%run_scoped3A : memref<!tpu.dma_semaphore, #tpu.memory_space<semaphore_mem>>) src(%arg4 : memref<640xf32, #tpu.memory_space<hbm>>) dst(%dma_wait3A : memref<640xf32, #tpu.memory_space<vmem_shared>>)
      tpu.yield
    }) : () -> ()
    %barrier3A = arith.constant 0 : index
    tpu.barrier barrier_id(%barrier3A)
    %scan3A = arith.constant 0 : i32
    %scan3A_3 = arith.constant 0 : i32
    %scan3A_4 = arith.constant 79 : i32
    %scan3A_5 = arith.addi %scan3A_3, %scan3A_4 : i32
    %scan3A_6 = arith.constant 1 : i32
    %scan3A_7 = scf.for %scan3A_17 = %scan3A_3 to %scan3A_5 step %scan3A_6 iter_args(%scan3A_18 = %scan3A) -> (i32)  : i32 {
      %mul3A_19 = arith.constant 10112 : i32
      %mul3A_20 = arith.muli %add3A, %mul3A_19 : i32
      %mul3A_21 = arith.constant 128 : i32
      %mul3A_22 = arith.muli %scan3A_17, %mul3A_21 : i32
      %add3A_23 = arith.addi %mul3A_20, %mul3A_22 : i32
      "tpu.region"() ({
        %run_scoped3A = tpu.sem_alloc : memref<!tpu.dma_semaphore, #tpu.memory_space<semaphore_mem>>
        %dma_start3A = tpu.memref_slice %arg2[%add3A_23] : memref<323584xi32, #tpu.memory_space<hbm>> -> memref<128xi32, #tpu.memory_space<hbm>>
        %dma_start3A_25 = tpu.memref_slice %arg2[%add3A_23] : memref<323584xi32, #tpu.memory_space<hbm>> -> memref<128xi32, #tpu.memory_space<hbm>>
        tpu.enqueue_dma source(%dma_start3A_25 : memref<128xi32, #tpu.memory_space<hbm>>) target(%arg6 : memref<128xi32, #tpu.memory_space<vmem>>) target_semaphore(%run_scoped3A : memref<!tpu.dma_semaphore, #tpu.memory_space<semaphore_mem>>)
        %dma_wait3A = tpu.memref_slice %arg2[%add3A_23] : memref<323584xi32, #tpu.memory_space<hbm>> -> memref<128xi32, #tpu.memory_space<hbm>>
        %dma_wait3A_26 = tpu.memref_slice %arg2[%add3A_23] : memref<323584xi32, #tpu.memory_space<hbm>> -> memref<128xi32, #tpu.memory_space<hbm>>
        tpu.wait_dma2 semaphore(%run_scoped3A : memref<!tpu.dma_semaphore, #tpu.memory_space<semaphore_mem>>) src(%dma_wait3A_26 : memref<128xi32, #tpu.memory_space<hbm>>) dst(%arg6 : memref<128xi32, #tpu.memory_space<vmem>>)
        tpu.yield
      }) : () -> ()
      "tpu.region"() ({
        %run_scoped3A = tpu.sem_alloc : memref<!tpu.dma_semaphore, #tpu.memory_space<semaphore_mem>>
        %dma_start3A = arith.constant 0 : i32
        %dma_start3A_25 = tpu.memref_slice %arg8[%dma_start3A] : memref<10240xf32, #tpu.memory_space<vmem_shared>> -> memref<10240xf32, #tpu.memory_space<vmem_shared>>
        tpu.enqueue_indirect_dma source(%arg7 : memref<128xf32, #tpu.memory_space<vmem>>) target(%dma_start3A_25 : memref<10240xf32, #tpu.memory_space<vmem_shared>>) offsets(%arg6 : memref<128xi32, #tpu.memory_space<vmem>>) semaphore(%run_scoped3A : memref<!tpu.dma_semaphore, #tpu.memory_space<semaphore_mem>>) {add = true}
        %dma_wait3A = arith.constant 0 : i32
        %dma_wait3A_26 = tpu.memref_slice %arg8[%dma_wait3A] : memref<10240xf32, #tpu.memory_space<vmem_shared>> -> memref<10240xf32, #tpu.memory_space<vmem_shared>>
        tpu.wait_indirect_dma semaphore(%run_scoped3A : memref<!tpu.dma_semaphore, #tpu.memory_space<semaphore_mem>>) src(%arg7 : memref<128xf32, #tpu.memory_space<vmem>>) dst(%dma_wait3A_26 : memref<10240xf32, #tpu.memory_space<vmem_shared>>)
        tpu.yield
      }) : () -> ()
      %scan3A_24 = arith.constant 0 : i32
      scf.yield %scan3A_24 : i32
    }
    %scan3A_8 = arith.constant 79 : i32
    %barrier3A_9 = arith.constant 0 : index
    tpu.barrier barrier_id(%barrier3A_9)
    %mul3A_10 = arith.constant 640 : i32
    %mul3A_11 = arith.muli %arg1, %mul3A_10 : i32
    %mul3A_12 = arith.constant 10240 : i32
    %mul3A_13 = arith.muli %arg0, %mul3A_12 : i32
    %mul3A_14 = arith.constant 640 : i32
    %mul3A_15 = arith.muli %arg1, %mul3A_14 : i32
    %add3A_16 = arith.addi %mul3A_13, %mul3A_15 : i32
    "tpu.region"() ({
      %run_scoped3A = tpu.sem_alloc : memref<!tpu.dma_semaphore, #tpu.memory_space<semaphore_mem>>
      %dma_start3A = tpu.memref_slice %arg5[%add3A_16] : memref<20480xf32, #tpu.memory_space<hbm>> -> memref<640xf32, #tpu.memory_space<hbm>>
      %dma_start3A_17 = tpu.memref_slice %arg8[%mul3A_11] : memref<10240xf32, #tpu.memory_space<vmem_shared>> -> memref<640xf32, #tpu.memory_space<vmem_shared>>
      tpu.enqueue_dma source(%dma_start3A_17 : memref<640xf32, #tpu.memory_space<vmem_shared>>) target(%dma_start3A : memref<640xf32, #tpu.memory_space<hbm>>) target_semaphore(%run_scoped3A : memref<!tpu.dma_semaphore, #tpu.memory_space<semaphore_mem>>)
      %dma_wait3A = tpu.memref_slice %arg5[%add3A_16] : memref<20480xf32, #tpu.memory_space<hbm>> -> memref<640xf32, #tpu.memory_space<hbm>>
      %dma_wait3A_18 = tpu.memref_slice %arg8[%mul3A_11] : memref<10240xf32, #tpu.memory_space<vmem_shared>> -> memref<640xf32, #tpu.memory_space<vmem_shared>>
      tpu.wait_dma2 semaphore(%run_scoped3A : memref<!tpu.dma_semaphore, #tpu.memory_space<semaphore_mem>>) src(%dma_wait3A_18 : memref<640xf32, #tpu.memory_space<vmem_shared>>) dst(%dma_wait3A : memref<640xf32, #tpu.memory_space<hbm>>)
      tpu.yield
    }) : () -> ()
    return
  }
}

#map = affine_map<(d0, d1) -> (0, 0)>
#map1 = affine_map<(d0, d1) -> (0)>
#map2 = affine_map<(d0, d1) -> (0, 0, 0)>
module attributes {stable_mosaic.version = 14 : i64} {
  func.func @body(%arg0: i32, %arg1: i32, %arg2: memref<10000x128xf32, #tpu.memory_space<hbm>>, %arg3: memref<323584xi32, #tpu.memory_space<hbm>>, %arg4: memref<323584xi32, #tpu.memory_space<hbm>>, %arg5: memref<632x128xf32, #tpu.memory_space<hbm>>, %arg6: memref<2x10112x128xf32, #tpu.memory_space<hbm>>, %arg7: memref<128xi32, #tpu.memory_space<vmem>>, %arg8: memref<128xi32, #tpu.memory_space<vmem>>, %arg9: memref<128x128xf32, #tpu.memory_space<vmem>>, %arg10: memref<10112x128xf32, #tpu.memory_space<vmem_shared>>, %arg11: memref<!tpu.dma_semaphore, #tpu.memory_space<semaphore_mem>>) attributes {dimension_semantics = [#tpu.dimension_semantics<core_parallel>, #tpu.dimension_semantics<subcore_parallel>], iteration_bounds = array<i64: 2, 16>, scalar_prefetch = 0 : i64, scratch_operands = 5 : i64, tpu.core_type = #tpu.core_type<sc_vector_subcore>, window_params = [{transform_indices = #map}, {transform_indices = #map1}, {transform_indices = #map1}, {transform_indices = #map}, {transform_indices = #map2}]} {
    %mul3A = arith.constant 16 : i32
    %mul3A_0 = arith.muli %arg0, %mul3A : i32
    %add3A = arith.addi %mul3A_0, %arg1 : i32
    %mul3A_1 = arith.constant 10112 : i32
    %mul3A_2 = arith.muli %add3A, %mul3A_1 : i32
    %mul3A_3 = arith.constant 632 : i32
    %mul3A_4 = arith.muli %arg1, %mul3A_3 : i32
    "tpu.region"() ({
      %run_scoped3A = tpu.sem_alloc : memref<!tpu.dma_semaphore, #tpu.memory_space<semaphore_mem>>
      %dma_start3A = arith.constant 0 : i32
      %dma_start3A_16 = tpu.memref_slice %arg10[%mul3A_4, %dma_start3A] : memref<10112x128xf32, #tpu.memory_space<vmem_shared>> -> memref<632x128xf32, #tpu.memory_space<vmem_shared>>
      tpu.enqueue_dma source(%arg5 : memref<632x128xf32, #tpu.memory_space<hbm>>) target(%dma_start3A_16 : memref<632x128xf32, #tpu.memory_space<vmem_shared>>) target_semaphore(%run_scoped3A : memref<!tpu.dma_semaphore, #tpu.memory_space<semaphore_mem>>)
      %dma_wait3A = arith.constant 0 : i32
      %dma_wait3A_17 = tpu.memref_slice %arg10[%mul3A_4, %dma_wait3A] : memref<10112x128xf32, #tpu.memory_space<vmem_shared>> -> memref<632x128xf32, #tpu.memory_space<vmem_shared>>
      tpu.wait_dma2 semaphore(%run_scoped3A : memref<!tpu.dma_semaphore, #tpu.memory_space<semaphore_mem>>) src(%arg5 : memref<632x128xf32, #tpu.memory_space<hbm>>) dst(%dma_wait3A_17 : memref<632x128xf32, #tpu.memory_space<vmem_shared>>)
      tpu.yield
    }) : () -> ()
    %barrier3A = arith.constant 0 : index
    tpu.barrier barrier_id(%barrier3A)
    %scan3A = arith.constant 0 : i32
    %scan3A_5 = arith.constant 0 : i32
    %scan3A_6 = arith.constant 79 : i32
    %scan3A_7 = arith.addi %scan3A_5, %scan3A_6 : i32
    %scan3A_8 = arith.constant 1 : i32
    %scan3A_9 = scf.for %scan3A_16 = %scan3A_5 to %scan3A_7 step %scan3A_8 iter_args(%scan3A_17 = %scan3A) -> (i32)  : i32 {
      %mul3A_18 = arith.constant 128 : i32
      %mul3A_19 = arith.muli %scan3A_16, %mul3A_18 : i32
      %add3A_20 = arith.addi %mul3A_2, %mul3A_19 : i32
      "tpu.region"() ({
        %run_scoped3A = tpu.sem_alloc : memref<!tpu.dma_semaphore, #tpu.memory_space<semaphore_mem>>
        %dma_start3A_26 = tpu.memref_slice %arg3[%add3A_20] : memref<323584xi32, #tpu.memory_space<hbm>> -> memref<128xi32, #tpu.memory_space<hbm>>
        %dma_start3A_27 = tpu.memref_slice %arg3[%add3A_20] : memref<323584xi32, #tpu.memory_space<hbm>> -> memref<128xi32, #tpu.memory_space<hbm>>
        tpu.enqueue_dma source(%dma_start3A_27 : memref<128xi32, #tpu.memory_space<hbm>>) target(%arg7 : memref<128xi32, #tpu.memory_space<vmem>>) target_semaphore(%run_scoped3A : memref<!tpu.dma_semaphore, #tpu.memory_space<semaphore_mem>>)
        %dma_wait3A_28 = tpu.memref_slice %arg3[%add3A_20] : memref<323584xi32, #tpu.memory_space<hbm>> -> memref<128xi32, #tpu.memory_space<hbm>>
        %dma_wait3A_29 = tpu.memref_slice %arg3[%add3A_20] : memref<323584xi32, #tpu.memory_space<hbm>> -> memref<128xi32, #tpu.memory_space<hbm>>
        tpu.wait_dma2 semaphore(%run_scoped3A : memref<!tpu.dma_semaphore, #tpu.memory_space<semaphore_mem>>) src(%dma_wait3A_29 : memref<128xi32, #tpu.memory_space<hbm>>) dst(%arg7 : memref<128xi32, #tpu.memory_space<vmem>>)
        tpu.yield
      }) : () -> ()
      "tpu.region"() ({
        %run_scoped3A = tpu.sem_alloc : memref<!tpu.dma_semaphore, #tpu.memory_space<semaphore_mem>>
        %dma_start3A_26 = tpu.memref_slice %arg4[%add3A_20] : memref<323584xi32, #tpu.memory_space<hbm>> -> memref<128xi32, #tpu.memory_space<hbm>>
        %dma_start3A_27 = tpu.memref_slice %arg4[%add3A_20] : memref<323584xi32, #tpu.memory_space<hbm>> -> memref<128xi32, #tpu.memory_space<hbm>>
        tpu.enqueue_dma source(%dma_start3A_27 : memref<128xi32, #tpu.memory_space<hbm>>) target(%arg8 : memref<128xi32, #tpu.memory_space<vmem>>) target_semaphore(%run_scoped3A : memref<!tpu.dma_semaphore, #tpu.memory_space<semaphore_mem>>)
        %dma_wait3A_28 = tpu.memref_slice %arg4[%add3A_20] : memref<323584xi32, #tpu.memory_space<hbm>> -> memref<128xi32, #tpu.memory_space<hbm>>
        %dma_wait3A_29 = tpu.memref_slice %arg4[%add3A_20] : memref<323584xi32, #tpu.memory_space<hbm>> -> memref<128xi32, #tpu.memory_space<hbm>>
        tpu.wait_dma2 semaphore(%run_scoped3A : memref<!tpu.dma_semaphore, #tpu.memory_space<semaphore_mem>>) src(%dma_wait3A_29 : memref<128xi32, #tpu.memory_space<hbm>>) dst(%arg8 : memref<128xi32, #tpu.memory_space<vmem>>)
        tpu.yield
      }) : () -> ()
      %dma_start3A = arith.constant 0 : i32
      %dma_start3A_21 = arith.constant 0 : i32
      %dma_start3A_22 = tpu.memref_slice %arg2[%dma_start3A, %dma_start3A_21] : memref<10000x128xf32, #tpu.memory_space<hbm>> -> memref<10000x128xf32, #tpu.memory_space<hbm>>
      tpu.enqueue_indirect_dma source(%dma_start3A_22 : memref<10000x128xf32, #tpu.memory_space<hbm>>) target(%arg9 : memref<128x128xf32, #tpu.memory_space<vmem>>) offsets(%arg7 : memref<128xi32, #tpu.memory_space<vmem>>) semaphore(%arg11 : memref<!tpu.dma_semaphore, #tpu.memory_space<semaphore_mem>>)
      %dma_wait3A = arith.constant 0 : i32
      %dma_wait3A_23 = arith.constant 0 : i32
      %dma_wait3A_24 = tpu.memref_slice %arg2[%dma_wait3A, %dma_wait3A_23] : memref<10000x128xf32, #tpu.memory_space<hbm>> -> memref<10000x128xf32, #tpu.memory_space<hbm>>
      tpu.wait_indirect_dma semaphore(%arg11 : memref<!tpu.dma_semaphore, #tpu.memory_space<semaphore_mem>>) src(%dma_wait3A_24 : memref<10000x128xf32, #tpu.memory_space<hbm>>) dst(%arg9 : memref<128x128xf32, #tpu.memory_space<vmem>>)
      "tpu.region"() ({
        %run_scoped3A = tpu.sem_alloc : memref<!tpu.dma_semaphore, #tpu.memory_space<semaphore_mem>>
        %dma_start3A_26 = arith.constant 0 : i32
        %dma_start3A_27 = arith.constant 0 : i32
        %dma_start3A_28 = tpu.memref_slice %arg10[%dma_start3A_26, %dma_start3A_27] : memref<10112x128xf32, #tpu.memory_space<vmem_shared>> -> memref<10112x128xf32, #tpu.memory_space<vmem_shared>>
        tpu.enqueue_indirect_dma source(%arg9 : memref<128x128xf32, #tpu.memory_space<vmem>>) target(%dma_start3A_28 : memref<10112x128xf32, #tpu.memory_space<vmem_shared>>) offsets(%arg8 : memref<128xi32, #tpu.memory_space<vmem>>) semaphore(%run_scoped3A : memref<!tpu.dma_semaphore, #tpu.memory_space<semaphore_mem>>) {add = true}
        %dma_wait3A_29 = arith.constant 0 : i32
        %dma_wait3A_30 = arith.constant 0 : i32
        %dma_wait3A_31 = tpu.memref_slice %arg10[%dma_wait3A_29, %dma_wait3A_30] : memref<10112x128xf32, #tpu.memory_space<vmem_shared>> -> memref<10112x128xf32, #tpu.memory_space<vmem_shared>>
        tpu.wait_indirect_dma semaphore(%run_scoped3A : memref<!tpu.dma_semaphore, #tpu.memory_space<semaphore_mem>>) src(%arg9 : memref<128x128xf32, #tpu.memory_space<vmem>>) dst(%dma_wait3A_31 : memref<10112x128xf32, #tpu.memory_space<vmem_shared>>)
        tpu.yield
      }) : () -> ()
      %scan3A_25 = arith.constant 0 : i32
      scf.yield %scan3A_25 : i32
    }
    %scan3A_10 = arith.constant 79 : i32
    %barrier3A_11 = arith.constant 0 : index
    tpu.barrier barrier_id(%barrier3A_11)
    %mul3A_12 = arith.constant 632 : i32
    %mul3A_13 = arith.muli %arg1, %mul3A_12 : i32
    %mul3A_14 = arith.constant 632 : i32
    %mul3A_15 = arith.muli %arg1, %mul3A_14 : i32
    "tpu.region"() ({
      %run_scoped3A = tpu.sem_alloc : memref<!tpu.dma_semaphore, #tpu.memory_space<semaphore_mem>>
      %dma_start3A = arith.constant 0 : i32
      %dma_start3A_16 = tpu.memref_slice %arg6[%arg0, %mul3A_15, %dma_start3A] : memref<2x10112x128xf32, #tpu.memory_space<hbm>> -> memref<1x632x128xf32, #tpu.memory_space<hbm>>
      %dma_start3A_17 = tpu.memref_squeeze %dma_start3A_16 : memref<1x632x128xf32, #tpu.memory_space<hbm>> -> memref<632x128xf32, #tpu.memory_space<hbm>>
      %dma_start3A_18 = arith.constant 0 : i32
      %dma_start3A_19 = tpu.memref_slice %arg10[%mul3A_13, %dma_start3A_18] : memref<10112x128xf32, #tpu.memory_space<vmem_shared>> -> memref<632x128xf32, #tpu.memory_space<vmem_shared>>
      tpu.enqueue_dma source(%dma_start3A_19 : memref<632x128xf32, #tpu.memory_space<vmem_shared>>) target(%dma_start3A_17 : memref<632x128xf32, #tpu.memory_space<hbm>>) target_semaphore(%run_scoped3A : memref<!tpu.dma_semaphore, #tpu.memory_space<semaphore_mem>>)
      %dma_wait3A = arith.constant 0 : i32
      %dma_wait3A_20 = tpu.memref_slice %arg6[%arg0, %mul3A_15, %dma_wait3A] : memref<2x10112x128xf32, #tpu.memory_space<hbm>> -> memref<1x632x128xf32, #tpu.memory_space<hbm>>
      %dma_wait3A_21 = tpu.memref_squeeze %dma_wait3A_20 : memref<1x632x128xf32, #tpu.memory_space<hbm>> -> memref<632x128xf32, #tpu.memory_space<hbm>>
      %dma_wait3A_22 = arith.constant 0 : i32
      %dma_wait3A_23 = tpu.memref_slice %arg10[%mul3A_13, %dma_wait3A_22] : memref<10112x128xf32, #tpu.memory_space<vmem_shared>> -> memref<632x128xf32, #tpu.memory_space<vmem_shared>>
      tpu.wait_dma2 semaphore(%run_scoped3A : memref<!tpu.dma_semaphore, #tpu.memory_space<semaphore_mem>>) src(%dma_wait3A_23 : memref<632x128xf32, #tpu.memory_space<vmem_shared>>) dst(%dma_wait3A_21 : memref<632x128xf32, #tpu.memory_space<hbm>>)
      tpu.yield
    }) : () -> ()
    return
  }
}

#map = affine_map<(d0, d1) -> (0, 0)>
#map1 = affine_map<(d0, d1) -> (0)>
#map2 = affine_map<(d0, d1) -> (0, 0, 0)>
module attributes {stable_mosaic.version = 14 : i64} {
  func.func @body(%arg0: i32, %arg1: i32, %arg2: memref<10000x128xf32, #tpu.memory_space<hbm>>, %arg3: memref<323584xi32, #tpu.memory_space<hbm>>, %arg4: memref<323584xi32, #tpu.memory_space<hbm>>, %arg5: memref<632x128xf32, #tpu.memory_space<hbm>>, %arg6: memref<2x10112x128xf32, #tpu.memory_space<hbm>>, %arg7: memref<128xi32, #tpu.memory_space<vmem>>, %arg8: memref<128xi32, #tpu.memory_space<vmem>>, %arg9: memref<128x128xf32, #tpu.memory_space<vmem>>, %arg10: memref<10112x128xf32, #tpu.memory_space<vmem_shared>>, %arg11: memref<!tpu.dma_semaphore, #tpu.memory_space<semaphore_mem>>) attributes {dimension_semantics = [#tpu.dimension_semantics<core_parallel>, #tpu.dimension_semantics<subcore_parallel>], iteration_bounds = array<i64: 2, 16>, scalar_prefetch = 0 : i64, scratch_operands = 5 : i64, tpu.core_type = #tpu.core_type<sc_vector_subcore>, window_params = [{transform_indices = #map}, {transform_indices = #map1}, {transform_indices = #map1}, {transform_indices = #map}, {transform_indices = #map2}]} {
    %mul3A = arith.constant 16 : i32
    %mul3A_0 = arith.muli %arg0, %mul3A : i32
    %add3A = arith.addi %mul3A_0, %arg1 : i32
    %mul3A_1 = arith.constant 10112 : i32
    %mul3A_2 = arith.muli %add3A, %mul3A_1 : i32
    %mul3A_3 = arith.constant 632 : i32
    %mul3A_4 = arith.muli %arg1, %mul3A_3 : i32
    "tpu.region"() ({
      %run_scoped3A = tpu.sem_alloc : memref<!tpu.dma_semaphore, #tpu.memory_space<semaphore_mem>>
      %dma_start3A = arith.constant 0 : i32
      %dma_start3A_16 = tpu.memref_slice %arg10[%mul3A_4, %dma_start3A] : memref<10112x128xf32, #tpu.memory_space<vmem_shared>> -> memref<632x128xf32, #tpu.memory_space<vmem_shared>>
      tpu.enqueue_dma source(%arg5 : memref<632x128xf32, #tpu.memory_space<hbm>>) target(%dma_start3A_16 : memref<632x128xf32, #tpu.memory_space<vmem_shared>>) target_semaphore(%run_scoped3A : memref<!tpu.dma_semaphore, #tpu.memory_space<semaphore_mem>>)
      %dma_wait3A = arith.constant 0 : i32
      %dma_wait3A_17 = tpu.memref_slice %arg10[%mul3A_4, %dma_wait3A] : memref<10112x128xf32, #tpu.memory_space<vmem_shared>> -> memref<632x128xf32, #tpu.memory_space<vmem_shared>>
      tpu.wait_dma2 semaphore(%run_scoped3A : memref<!tpu.dma_semaphore, #tpu.memory_space<semaphore_mem>>) src(%arg5 : memref<632x128xf32, #tpu.memory_space<hbm>>) dst(%dma_wait3A_17 : memref<632x128xf32, #tpu.memory_space<vmem_shared>>)
      tpu.yield
    }) : () -> ()
    %barrier3A = arith.constant 0 : index
    tpu.barrier barrier_id(%barrier3A)
    %scan3A = arith.constant 0 : i32
    %scan3A_5 = arith.constant 0 : i32
    %scan3A_6 = arith.constant 79 : i32
    %scan3A_7 = arith.addi %scan3A_5, %scan3A_6 : i32
    %scan3A_8 = arith.constant 1 : i32
    %scan3A_9 = scf.for %scan3A_16 = %scan3A_5 to %scan3A_7 step %scan3A_8 iter_args(%scan3A_17 = %scan3A) -> (i32)  : i32 {
      %mul3A_18 = arith.constant 128 : i32
      %mul3A_19 = arith.muli %scan3A_16, %mul3A_18 : i32
      %add3A_20 = arith.addi %mul3A_2, %mul3A_19 : i32
      "tpu.region"() ({
        %run_scoped3A = tpu.sem_alloc : memref<!tpu.dma_semaphore, #tpu.memory_space<semaphore_mem>>
        %dma_start3A_26 = tpu.memref_slice %arg3[%add3A_20] : memref<323584xi32, #tpu.memory_space<hbm>> -> memref<128xi32, #tpu.memory_space<hbm>>
        %dma_start3A_27 = tpu.memref_slice %arg3[%add3A_20] : memref<323584xi32, #tpu.memory_space<hbm>> -> memref<128xi32, #tpu.memory_space<hbm>>
        tpu.enqueue_dma source(%dma_start3A_27 : memref<128xi32, #tpu.memory_space<hbm>>) target(%arg7 : memref<128xi32, #tpu.memory_space<vmem>>) target_semaphore(%run_scoped3A : memref<!tpu.dma_semaphore, #tpu.memory_space<semaphore_mem>>)
        %dma_wait3A_28 = tpu.memref_slice %arg3[%add3A_20] : memref<323584xi32, #tpu.memory_space<hbm>> -> memref<128xi32, #tpu.memory_space<hbm>>
        %dma_wait3A_29 = tpu.memref_slice %arg3[%add3A_20] : memref<323584xi32, #tpu.memory_space<hbm>> -> memref<128xi32, #tpu.memory_space<hbm>>
        tpu.wait_dma2 semaphore(%run_scoped3A : memref<!tpu.dma_semaphore, #tpu.memory_space<semaphore_mem>>) src(%dma_wait3A_29 : memref<128xi32, #tpu.memory_space<hbm>>) dst(%arg7 : memref<128xi32, #tpu.memory_space<vmem>>)
        tpu.yield
      }) : () -> ()
      "tpu.region"() ({
        %run_scoped3A = tpu.sem_alloc : memref<!tpu.dma_semaphore, #tpu.memory_space<semaphore_mem>>
        %dma_start3A_26 = tpu.memref_slice %arg4[%add3A_20] : memref<323584xi32, #tpu.memory_space<hbm>> -> memref<128xi32, #tpu.memory_space<hbm>>
        %dma_start3A_27 = tpu.memref_slice %arg4[%add3A_20] : memref<323584xi32, #tpu.memory_space<hbm>> -> memref<128xi32, #tpu.memory_space<hbm>>
        tpu.enqueue_dma source(%dma_start3A_27 : memref<128xi32, #tpu.memory_space<hbm>>) target(%arg8 : memref<128xi32, #tpu.memory_space<vmem>>) target_semaphore(%run_scoped3A : memref<!tpu.dma_semaphore, #tpu.memory_space<semaphore_mem>>)
        %dma_wait3A_28 = tpu.memref_slice %arg4[%add3A_20] : memref<323584xi32, #tpu.memory_space<hbm>> -> memref<128xi32, #tpu.memory_space<hbm>>
        %dma_wait3A_29 = tpu.memref_slice %arg4[%add3A_20] : memref<323584xi32, #tpu.memory_space<hbm>> -> memref<128xi32, #tpu.memory_space<hbm>>
        tpu.wait_dma2 semaphore(%run_scoped3A : memref<!tpu.dma_semaphore, #tpu.memory_space<semaphore_mem>>) src(%dma_wait3A_29 : memref<128xi32, #tpu.memory_space<hbm>>) dst(%arg8 : memref<128xi32, #tpu.memory_space<vmem>>)
        tpu.yield
      }) : () -> ()
      %dma_start3A = arith.constant 0 : i32
      %dma_start3A_21 = arith.constant 0 : i32
      %dma_start3A_22 = tpu.memref_slice %arg2[%dma_start3A, %dma_start3A_21] : memref<10000x128xf32, #tpu.memory_space<hbm>> -> memref<10000x128xf32, #tpu.memory_space<hbm>>
      tpu.enqueue_indirect_dma source(%dma_start3A_22 : memref<10000x128xf32, #tpu.memory_space<hbm>>) target(%arg9 : memref<128x128xf32, #tpu.memory_space<vmem>>) offsets(%arg7 : memref<128xi32, #tpu.memory_space<vmem>>) semaphore(%arg11 : memref<!tpu.dma_semaphore, #tpu.memory_space<semaphore_mem>>)
      %dma_wait3A = arith.constant 0 : i32
      %dma_wait3A_23 = arith.constant 0 : i32
      %dma_wait3A_24 = tpu.memref_slice %arg2[%dma_wait3A, %dma_wait3A_23] : memref<10000x128xf32, #tpu.memory_space<hbm>> -> memref<10000x128xf32, #tpu.memory_space<hbm>>
      tpu.wait_indirect_dma semaphore(%arg11 : memref<!tpu.dma_semaphore, #tpu.memory_space<semaphore_mem>>) src(%dma_wait3A_24 : memref<10000x128xf32, #tpu.memory_space<hbm>>) dst(%arg9 : memref<128x128xf32, #tpu.memory_space<vmem>>)
      "tpu.region"() ({
        %run_scoped3A = tpu.sem_alloc : memref<!tpu.dma_semaphore, #tpu.memory_space<semaphore_mem>>
        %dma_start3A_26 = arith.constant 0 : i32
        %dma_start3A_27 = arith.constant 0 : i32
        %dma_start3A_28 = tpu.memref_slice %arg10[%dma_start3A_26, %dma_start3A_27] : memref<10112x128xf32, #tpu.memory_space<vmem_shared>> -> memref<10112x128xf32, #tpu.memory_space<vmem_shared>>
        tpu.enqueue_indirect_dma source(%arg9 : memref<128x128xf32, #tpu.memory_space<vmem>>) target(%dma_start3A_28 : memref<10112x128xf32, #tpu.memory_space<vmem_shared>>) offsets(%arg8 : memref<128xi32, #tpu.memory_space<vmem>>) semaphore(%run_scoped3A : memref<!tpu.dma_semaphore, #tpu.memory_space<semaphore_mem>>) {add = true}
        %dma_wait3A_29 = arith.constant 0 : i32
        %dma_wait3A_30 = arith.constant 0 : i32
        %dma_wait3A_31 = tpu.memref_slice %arg10[%dma_wait3A_29, %dma_wait3A_30] : memref<10112x128xf32, #tpu.memory_space<vmem_shared>> -> memref<10112x128xf32, #tpu.memory_space<vmem_shared>>
        tpu.wait_indirect_dma semaphore(%run_scoped3A : memref<!tpu.dma_semaphore, #tpu.memory_space<semaphore_mem>>) src(%arg9 : memref<128x128xf32, #tpu.memory_space<vmem>>) dst(%dma_wait3A_31 : memref<10112x128xf32, #tpu.memory_space<vmem_shared>>)
        tpu.yield
      }) : () -> ()
      %scan3A_25 = arith.constant 0 : i32
      scf.yield %scan3A_25 : i32
    }
    %scan3A_10 = arith.constant 79 : i32
    %barrier3A_11 = arith.constant 0 : index
    tpu.barrier barrier_id(%barrier3A_11)
    %mul3A_12 = arith.constant 632 : i32
    %mul3A_13 = arith.muli %arg1, %mul3A_12 : i32
    %mul3A_14 = arith.constant 632 : i32
    %mul3A_15 = arith.muli %arg1, %mul3A_14 : i32
    "tpu.region"() ({
      %run_scoped3A = tpu.sem_alloc : memref<!tpu.dma_semaphore, #tpu.memory_space<semaphore_mem>>
      %dma_start3A = arith.constant 0 : i32
      %dma_start3A_16 = tpu.memref_slice %arg6[%arg0, %mul3A_15, %dma_start3A] : memref<2x10112x128xf32, #tpu.memory_space<hbm>> -> memref<1x632x128xf32, #tpu.memory_space<hbm>>
      %dma_start3A_17 = tpu.memref_squeeze %dma_start3A_16 : memref<1x632x128xf32, #tpu.memory_space<hbm>> -> memref<632x128xf32, #tpu.memory_space<hbm>>
      %dma_start3A_18 = arith.constant 0 : i32
      %dma_start3A_19 = tpu.memref_slice %arg10[%mul3A_13, %dma_start3A_18] : memref<10112x128xf32, #tpu.memory_space<vmem_shared>> -> memref<632x128xf32, #tpu.memory_space<vmem_shared>>
      tpu.enqueue_dma source(%dma_start3A_19 : memref<632x128xf32, #tpu.memory_space<vmem_shared>>) target(%dma_start3A_17 : memref<632x128xf32, #tpu.memory_space<hbm>>) target_semaphore(%run_scoped3A : memref<!tpu.dma_semaphore, #tpu.memory_space<semaphore_mem>>)
      %dma_wait3A = arith.constant 0 : i32
      %dma_wait3A_20 = tpu.memref_slice %arg6[%arg0, %mul3A_15, %dma_wait3A] : memref<2x10112x128xf32, #tpu.memory_space<hbm>> -> memref<1x632x128xf32, #tpu.memory_space<hbm>>
      %dma_wait3A_21 = tpu.memref_squeeze %dma_wait3A_20 : memref<1x632x128xf32, #tpu.memory_space<hbm>> -> memref<632x128xf32, #tpu.memory_space<hbm>>
      %dma_wait3A_22 = arith.constant 0 : i32
      %dma_wait3A_23 = tpu.memref_slice %arg10[%mul3A_13, %dma_wait3A_22] : memref<10112x128xf32, #tpu.memory_space<vmem_shared>> -> memref<632x128xf32, #tpu.memory_space<vmem_shared>>
      tpu.wait_dma2 semaphore(%run_scoped3A : memref<!tpu.dma_semaphore, #tpu.memory_space<semaphore_mem>>) src(%dma_wait3A_23 : memref<632x128xf32, #tpu.memory_space<vmem_shared>>) dst(%dma_wait3A_21 : memref<632x128xf32, #tpu.memory_space<hbm>>)
      tpu.yield
    }) : () -> ()
    return
  }
}

module attributes {stable_mosaic.version = 14 : i64} {
  func.func @body(%arg0: i32, %arg1: memref<1000x128xf32, #tpu.memory_space<vmem>>, %arg2: memref<128x128xf32, #tpu.memory_space<vmem>>, %arg3: memref<1000x128xf32, #tpu.memory_space<vmem>>) attributes {dimension_semantics = [#tpu.dimension_semantics<arbitrary>], iteration_bounds = array<i64: 10>, scalar_prefetch = 0 : i64, scratch_operands = 0 : i64, tpu.core_type = #tpu.core_type<tc>, window_params = [{transform_indices = @transform_0, window_bounds = array<i64: 1000, 128>}, {pipeline_mode = #tpu.pipeline_mode<synchronous>, transform_indices = @transform_1, window_bounds = array<i64: 128, 128>}, {transform_indices = @transform_2, window_bounds = array<i64: 1000, 128>}]} {
    %get3A = arith.constant 0 : index
    %get3A_0 = arith.constant 0 : index
    %get3A_1 = vector.load %arg1[%get3A, %get3A_0] : memref<1000x128xf32, #tpu.memory_space<vmem>>, vector<1000x128xf32>
    %get3A_2 = arith.constant 0 : index
    %get3A_3 = arith.constant 0 : index
    %get3A_4 = vector.load %arg2[%get3A_2, %get3A_3] : memref<128x128xf32, #tpu.memory_space<vmem>>, vector<128x128xf32>
    %dot_general3A = arith.constant dense<0.000000e+00> : vector<1000x128xf32>
    %dot_general3A_5 = tpu.matmul %get3A_1, %get3A_4, %dot_general3A {dimension_numbers = #tpu.dot_dimension_numbers<[1], [0], [0], [1], [0, 0, 1, 1], [], []>, transpose_lhs_hint = false} : vector<1000x128xf32>, vector<128x128xf32>, vector<1000x128xf32> -> vector<1000x128xf32>
    %swap3A = arith.constant 0 : index
    %swap3A_6 = arith.constant 0 : index
    %swap3A_7 = vector.load %arg3[%swap3A, %swap3A_6] : memref<1000x128xf32, #tpu.memory_space<vmem>>, vector<1000x128xf32>
    tpu.vector_store %arg3[%swap3A, %swap3A_6], %dot_general3A_5 {strides = array<i32>} : memref<1000x128xf32, #tpu.memory_space<vmem>>, vector<1000x128xf32>,
    return
  }
  func.func @transform_0(%arg0: i32) -> (i32, i32) {
    %c0_i32 = arith.constant 0 : i32
    %c0_i32_0 = arith.constant 0 : i32
    return %arg0, %c0_i32 : i32, i32
  }
  func.func @transform_1(%arg0: i32) -> (i32, i32) {
    %c0_i32 = arith.constant 0 : i32
    %c0_i32_0 = arith.constant 0 : i32
    %c0_i32_1 = arith.constant 0 : i32
    return %c0_i32, %c0_i32_0 : i32, i32
  }
  func.func @transform_2(%arg0: i32) -> (i32, i32) {
    %c0_i32 = arith.constant 0 : i32
    %c0_i32_0 = arith.constant 0 : i32
    return %arg0, %c0_i32 : i32, i32
  }
}

module attributes {stable_mosaic.version = 14 : i64} {
  func.func @body(%arg0: i32, %arg1: memref<1000x128xf32, #tpu.memory_space<vmem>>, %arg2: memref<1000x1xf32, #tpu.memory_space<vmem>>, %arg3: memref<1000x1xf32, #tpu.memory_space<vmem>>, %arg4: memref<1000x128xf32, #tpu.memory_space<vmem>>) attributes {dimension_semantics = [#tpu.dimension_semantics<arbitrary>], iteration_bounds = array<i64: 10>, scalar_prefetch = 0 : i64, scratch_operands = 0 : i64, tpu.core_type = #tpu.core_type<tc>, window_params = [{transform_indices = @transform_0, window_bounds = array<i64: 1000, 128>}, {transform_indices = @transform_1, window_bounds = array<i64: 1000, 1>}, {transform_indices = @transform_2, window_bounds = array<i64: 1000, 1>}, {transform_indices = @transform_3, window_bounds = array<i64: 1000, 128>}]} {
    %get3A = arith.constant 0 : index
    %get3A_0 = arith.constant 0 : index
    %get3A_1 = vector.load %arg2[%get3A, %get3A_0] : memref<1000x1xf32, #tpu.memory_space<vmem>>, vector<1000x1xf32>
    %get3A_2 = arith.constant 0 : index
    %get3A_3 = arith.constant 0 : index
    %get3A_4 = vector.load %arg3[%get3A_2, %get3A_3] : memref<1000x1xf32, #tpu.memory_space<vmem>>, vector<1000x1xf32>
    %add3A = arith.addf %get3A_1, %get3A_4 : vector<1000x1xf32>
    %add3A_5 = arith.constant 1.000000e+00 : f32
    %add3A_6 = vector.broadcast %add3A_5 : f32 to vector<1000x1xf32>
    %add3A_7 = arith.addf %add3A, %add3A_6 : vector<1000x1xf32>
    %rsqrt3A = math.rsqrt %add3A_7 : vector<1000x1xf32>
    %get3A_8 = arith.constant 0 : index
    %get3A_9 = arith.constant 0 : index
    %get3A_10 = vector.load %arg1[%get3A_8, %get3A_9] : memref<1000x128xf32, #tpu.memory_space<vmem>>, vector<1000x128xf32>
    %mul3A = vector.broadcast %rsqrt3A : vector<1000x1xf32> to vector<1000x128xf32>
    %mul3A_11 = arith.mulf %get3A_10, %mul3A : vector<1000x128xf32>
    %swap3A = arith.constant 0 : index
    %swap3A_12 = arith.constant 0 : index
    %swap3A_13 = vector.load %arg4[%swap3A, %swap3A_12] : memref<1000x128xf32, #tpu.memory_space<vmem>>, vector<1000x128xf32>
    tpu.vector_store %arg4[%swap3A, %swap3A_12], %mul3A_11 {strides = array<i32>} : memref<1000x128xf32, #tpu.memory_space<vmem>>, vector<1000x128xf32>,
    return
  }
  func.func @transform_0(%arg0: i32) -> (i32, i32) {
    %c0_i32 = arith.constant 0 : i32
    %c0_i32_0 = arith.constant 0 : i32
    return %arg0, %c0_i32 : i32, i32
  }
  func.func @transform_1(%arg0: i32) -> (i32, i32) {
    %c0_i32 = arith.constant 0 : i32
    %c0_i32_0 = arith.constant 0 : i32
    return %arg0, %c0_i32 : i32, i32
  }
  func.func @transform_2(%arg0: i32) -> (i32, i32) {
    %c0_i32 = arith.constant 0 : i32
    %c0_i32_0 = arith.constant 0 : i32
    return %arg0, %c0_i32 : i32, i32
  }
  func.func @transform_3(%arg0: i32) -> (i32, i32) {
    %c0_i32 = arith.constant 0 : i32
    %c0_i32_0 = arith.constant 0 : i32
    return %arg0, %c0_i32 : i32, i32
  }
}

module attributes {stable_mosaic.version = 14 : i64} {
  func.func @body(%arg0: i32, %arg1: memref<1000x128xf32, #tpu.memory_space<vmem>>, %arg2: memref<1000x128xf32, #tpu.memory_space<vmem>>, %arg3: memref<1000x128xf32, #tpu.memory_space<vmem>>, %arg4: memref<1000x1xf32, #tpu.memory_space<vmem>>, %arg5: memref<1000x1xf32, #tpu.memory_space<vmem>>, %arg6: memref<1x128xf32, #tpu.memory_space<vmem>>, %arg7: memref<128x128xf32, #tpu.memory_space<vmem>>, %arg8: memref<1000x128xf32, #tpu.memory_space<vmem>>) attributes {dimension_semantics = [#tpu.dimension_semantics<arbitrary>], iteration_bounds = array<i64: 10>, scalar_prefetch = 0 : i64, scratch_operands = 0 : i64, tpu.core_type = #tpu.core_type<tc>, window_params = [{transform_indices = @transform_0, window_bounds = array<i64: 1000, 128>}, {transform_indices = @transform_1, window_bounds = array<i64: 1000, 128>}, {transform_indices = @transform_2, window_bounds = array<i64: 1000, 128>}, {transform_indices = @transform_3, window_bounds = array<i64: 1000, 1>}, {transform_indices = @transform_4, window_bounds = array<i64: 1000, 1>}, {pipeline_mode = #tpu.pipeline_mode<synchronous>, transform_indices = @transform_5, window_bounds = array<i64: 1, 128>}, {pipeline_mode = #tpu.pipeline_mode<synchronous>, transform_indices = @transform_6, window_bounds = array<i64: 128, 128>}, {transform_indices = @transform_7, window_bounds = array<i64: 1000, 128>}]} {
    %get3A = arith.constant 0 : index
    %get3A_0 = arith.constant 0 : index
    %get3A_1 = vector.load %arg4[%get3A, %get3A_0] : memref<1000x1xf32, #tpu.memory_space<vmem>>, vector<1000x1xf32>
    %get3A_2 = arith.constant 0 : index
    %get3A_3 = arith.constant 0 : index
    %get3A_4 = vector.load %arg5[%get3A_2, %get3A_3] : memref<1000x1xf32, #tpu.memory_space<vmem>>, vector<1000x1xf32>
    %add3A = arith.addf %get3A_1, %get3A_4 : vector<1000x1xf32>
    %add3A_5 = arith.constant 1.000000e+00 : f32
    %add3A_6 = vector.broadcast %add3A_5 : f32 to vector<1000x1xf32>
    %add3A_7 = arith.addf %add3A, %add3A_6 : vector<1000x1xf32>
    %rsqrt3A = math.rsqrt %add3A_7 : vector<1000x1xf32>
    %get3A_8 = arith.constant 0 : index
    %get3A_9 = arith.constant 0 : index
    %get3A_10 = vector.load %arg1[%get3A_8, %get3A_9] : memref<1000x128xf32, #tpu.memory_space<vmem>>, vector<1000x128xf32>
    %get3A_11 = arith.constant 0 : index
    %get3A_12 = arith.constant 0 : index
    %get3A_13 = vector.load %arg2[%get3A_11, %get3A_12] : memref<1000x128xf32, #tpu.memory_space<vmem>>, vector<1000x128xf32>
    %add3A_14 = arith.addf %get3A_10, %get3A_13 : vector<1000x128xf32>
    %get3A_15 = arith.constant 0 : index
    %get3A_16 = arith.constant 0 : index
    %get3A_17 = vector.load %arg3[%get3A_15, %get3A_16] : memref<1000x128xf32, #tpu.memory_space<vmem>>, vector<1000x128xf32>
    %add3A_18 = arith.addf %add3A_14, %get3A_17 : vector<1000x128xf32>
    %mul3A = vector.broadcast %rsqrt3A : vector<1000x1xf32> to vector<1000x128xf32>
    %mul3A_19 = arith.mulf %mul3A, %add3A_18 : vector<1000x128xf32>
    %get3A_20 = arith.constant 0 : index
    %get3A_21 = arith.constant 0 : index
    %get3A_22 = vector.load %arg6[%get3A_20, %get3A_21] : memref<1x128xf32, #tpu.memory_space<vmem>>, vector<1x128xf32>
    %add3A_23 = vector.broadcast %get3A_22 : vector<1x128xf32> to vector<1000x128xf32>
    %add3A_24 = arith.addf %mul3A_19, %add3A_23 : vector<1000x128xf32>
    %max3A = arith.constant 0.000000e+00 : f32
    %max3A_25 = vector.broadcast %max3A : f32 to vector<1000x128xf32>
    %max3A_26 = arith.maximumf %add3A_24, %max3A_25 : vector<1000x128xf32>
    %get3A_27 = arith.constant 0 : index
    %get3A_28 = arith.constant 0 : index
    %get3A_29 = vector.load %arg7[%get3A_27, %get3A_28] : memref<128x128xf32, #tpu.memory_space<vmem>>, vector<128x128xf32>
    %dot_general3A = arith.constant dense<0.000000e+00> : vector<1000x128xf32>
    %dot_general3A_30 = tpu.matmul %max3A_26, %get3A_29, %dot_general3A {dimension_numbers = #tpu.dot_dimension_numbers<[1], [0], [0], [1], [0, 0, 1, 1], [], []>, transpose_lhs_hint = false} : vector<1000x128xf32>, vector<128x128xf32>, vector<1000x128xf32> -> vector<1000x128xf32>
    %mul3A_31 = vector.broadcast %rsqrt3A : vector<1000x1xf32> to vector<1000x128xf32>
    %mul3A_32 = arith.mulf %mul3A_31, %dot_general3A_30 : vector<1000x128xf32>
    %swap3A = arith.constant 0 : index
    %swap3A_33 = arith.constant 0 : index
    %swap3A_34 = vector.load %arg8[%swap3A, %swap3A_33] : memref<1000x128xf32, #tpu.memory_space<vmem>>, vector<1000x128xf32>
    tpu.vector_store %arg8[%swap3A, %swap3A_33], %mul3A_32 {strides = array<i32>} : memref<1000x128xf32, #tpu.memory_space<vmem>>, vector<1000x128xf32>,
    return
  }
  func.func @transform_0(%arg0: i32) -> (i32, i32) {
    %c0_i32 = arith.constant 0 : i32
    %c0_i32_0 = arith.constant 0 : i32
    return %arg0, %c0_i32 : i32, i32
  }
  func.func @transform_1(%arg0: i32) -> (i32, i32) {
    %c0_i32 = arith.constant 0 : i32
    %c0_i32_0 = arith.constant 0 : i32
    return %arg0, %c0_i32 : i32, i32
  }
  func.func @transform_2(%arg0: i32) -> (i32, i32) {
    %c0_i32 = arith.constant 0 : i32
    %c0_i32_0 = arith.constant 0 : i32
    return %arg0, %c0_i32 : i32, i32
  }
  func.func @transform_3(%arg0: i32) -> (i32, i32) {
    %c0_i32 = arith.constant 0 : i32
    %c0_i32_0 = arith.constant 0 : i32
    return %arg0, %c0_i32 : i32, i32
  }
  func.func @transform_4(%arg0: i32) -> (i32, i32) {
    %c0_i32 = arith.constant 0 : i32
    %c0_i32_0 = arith.constant 0 : i32
    return %arg0, %c0_i32 : i32, i32
  }
  func.func @transform_5(%arg0: i32) -> (i32, i32) {
    %c0_i32 = arith.constant 0 : i32
    %c0_i32_0 = arith.constant 0 : i32
    %c0_i32_1 = arith.constant 0 : i32
    return %c0_i32, %c0_i32_0 : i32, i32
  }
  func.func @transform_6(%arg0: i32) -> (i32, i32) {
    %c0_i32 = arith.constant 0 : i32
    %c0_i32_0 = arith.constant 0 : i32
    %c0_i32_1 = arith.constant 0 : i32
    return %c0_i32, %c0_i32_0 : i32, i32
  }
  func.func @transform_7(%arg0: i32) -> (i32, i32) {
    %c0_i32 = arith.constant 0 : i32
    %c0_i32_0 = arith.constant 0 : i32
    return %arg0, %c0_i32 : i32, i32
  }
}

module attributes {stable_mosaic.version = 14 : i64} {
  func.func @body(%arg0: i32, %arg1: memref<1000x128xf32, #tpu.memory_space<vmem>>, %arg2: memref<1000x128xf32, #tpu.memory_space<vmem>>, %arg3: memref<1000x128xf32, #tpu.memory_space<vmem>>, %arg4: memref<1000x1xf32, #tpu.memory_space<vmem>>, %arg5: memref<1000x1xf32, #tpu.memory_space<vmem>>, %arg6: memref<1x128xf32, #tpu.memory_space<vmem>>, %arg7: memref<1000x128xf32, #tpu.memory_space<vmem>>) attributes {dimension_semantics = [#tpu.dimension_semantics<arbitrary>], iteration_bounds = array<i64: 10>, scalar_prefetch = 0 : i64, scratch_operands = 0 : i64, tpu.core_type = #tpu.core_type<tc>, window_params = [{transform_indices = @transform_0, window_bounds = array<i64: 1000, 128>}, {transform_indices = @transform_1, window_bounds = array<i64: 1000, 128>}, {transform_indices = @transform_2, window_bounds = array<i64: 1000, 128>}, {transform_indices = @transform_3, window_bounds = array<i64: 1000, 1>}, {transform_indices = @transform_4, window_bounds = array<i64: 1000, 1>}, {pipeline_mode = #tpu.pipeline_mode<synchronous>, transform_indices = @transform_5, window_bounds = array<i64: 1, 128>}, {transform_indices = @transform_6, window_bounds = array<i64: 1000, 128>}]} {
    %get3A = arith.constant 0 : index
    %get3A_0 = arith.constant 0 : index
    %get3A_1 = vector.load %arg4[%get3A, %get3A_0] : memref<1000x1xf32, #tpu.memory_space<vmem>>, vector<1000x1xf32>
    %get3A_2 = arith.constant 0 : index
    %get3A_3 = arith.constant 0 : index
    %get3A_4 = vector.load %arg5[%get3A_2, %get3A_3] : memref<1000x1xf32, #tpu.memory_space<vmem>>, vector<1000x1xf32>
    %add3A = arith.addf %get3A_1, %get3A_4 : vector<1000x1xf32>
    %add3A_5 = arith.constant 1.000000e+00 : f32
    %add3A_6 = vector.broadcast %add3A_5 : f32 to vector<1000x1xf32>
    %add3A_7 = arith.addf %add3A, %add3A_6 : vector<1000x1xf32>
    %rsqrt3A = math.rsqrt %add3A_7 : vector<1000x1xf32>
    %get3A_8 = arith.constant 0 : index
    %get3A_9 = arith.constant 0 : index
    %get3A_10 = vector.load %arg1[%get3A_8, %get3A_9] : memref<1000x128xf32, #tpu.memory_space<vmem>>, vector<1000x128xf32>
    %get3A_11 = arith.constant 0 : index
    %get3A_12 = arith.constant 0 : index
    %get3A_13 = vector.load %arg2[%get3A_11, %get3A_12] : memref<1000x128xf32, #tpu.memory_space<vmem>>, vector<1000x128xf32>
    %add3A_14 = arith.addf %get3A_10, %get3A_13 : vector<1000x128xf32>
    %get3A_15 = arith.constant 0 : index
    %get3A_16 = arith.constant 0 : index
    %get3A_17 = vector.load %arg3[%get3A_15, %get3A_16] : memref<1000x128xf32, #tpu.memory_space<vmem>>, vector<1000x128xf32>
    %add3A_18 = arith.addf %add3A_14, %get3A_17 : vector<1000x128xf32>
    %mul3A = vector.broadcast %rsqrt3A : vector<1000x1xf32> to vector<1000x128xf32>
    %mul3A_19 = arith.mulf %mul3A, %add3A_18 : vector<1000x128xf32>
    %get3A_20 = arith.constant 0 : index
    %get3A_21 = arith.constant 0 : index
    %get3A_22 = vector.load %arg6[%get3A_20, %get3A_21] : memref<1x128xf32, #tpu.memory_space<vmem>>, vector<1x128xf32>
    %add3A_23 = vector.broadcast %get3A_22 : vector<1x128xf32> to vector<1000x128xf32>
    %add3A_24 = arith.addf %mul3A_19, %add3A_23 : vector<1000x128xf32>
    %swap3A = arith.constant 0 : index
    %swap3A_25 = arith.constant 0 : index
    %swap3A_26 = vector.load %arg7[%swap3A, %swap3A_25] : memref<1000x128xf32, #tpu.memory_space<vmem>>, vector<1000x128xf32>
    tpu.vector_store %arg7[%swap3A, %swap3A_25], %add3A_24 {strides = array<i32>} : memref<1000x128xf32, #tpu.memory_space<vmem>>, vector<1000x128xf32>,
    return
  }
  func.func @transform_0(%arg0: i32) -> (i32, i32) {
    %c0_i32 = arith.constant 0 : i32
    %c0_i32_0 = arith.constant 0 : i32
    return %arg0, %c0_i32 : i32, i32
  }
  func.func @transform_1(%arg0: i32) -> (i32, i32) {
    %c0_i32 = arith.constant 0 : i32
    %c0_i32_0 = arith.constant 0 : i32
    return %arg0, %c0_i32 : i32, i32
  }
  func.func @transform_2(%arg0: i32) -> (i32, i32) {
    %c0_i32 = arith.constant 0 : i32
    %c0_i32_0 = arith.constant 0 : i32
    return %arg0, %c0_i32 : i32, i32
  }
  func.func @transform_3(%arg0: i32) -> (i32, i32) {
    %c0_i32 = arith.constant 0 : i32
    %c0_i32_0 = arith.constant 0 : i32
    return %arg0, %c0_i32 : i32, i32
  }
  func.func @transform_4(%arg0: i32) -> (i32, i32) {
    %c0_i32 = arith.constant 0 : i32
    %c0_i32_0 = arith.constant 0 : i32
    return %arg0, %c0_i32 : i32, i32
  }
  func.func @transform_5(%arg0: i32) -> (i32, i32) {
    %c0_i32 = arith.constant 0 : i32
    %c0_i32_0 = arith.constant 0 : i32
    %c0_i32_1 = arith.constant 0 : i32
    return %c0_i32, %c0_i32_0 : i32, i32
  }
  func.func @transform_6(%arg0: i32) -> (i32, i32) {
    %c0_i32 = arith.constant 0 : i32
    %c0_i32_0 = arith.constant 0 : i32
    return %arg0, %c0_i32 : i32, i32
  }
}

</mosaic_0001>

<sc_bundles>
// kernel: kernel.12.cloned.1.call-start
scs
__scs_entry_jumppad:
0x0: {  	(pc) =	sbr.rel $0x88, $3  }
0x1: {  	(tag) =	ssettag $0x0;
	lr =	simm.s32 $0x1  }
0x2: {  	[smem:$0x3F9B] =	sst lr;
	_ =	strace $0xD0000000  }
0x3: {  	_ = 	snop  }
0x4: {  	_ = 	snop  }
0x5: {  	_ = 	snop  }
0x6: {  	_ = 	snop  }
0x7: {  	_ = 	snop  }
__scs_overlays_trampoline_lowered:
0x8: {  	[smem:$0x3FAA] =	sst s0  }
0x9: {  	[smem:$0x3FAB] =	sst s1  }
0xa: {  	[smem:$0x3FAC] =	sst s2  }
0xb: {  	[smem:$0x3FAD] =	sst s3  }
0xc: {  	[smem:$0x3FAE] =	sst s4  }
0xd: {  	[smem:$0x3FAF] =	sst s5  }
0xe: {  	[smem:$0x3FB0] =	sst s6  }
0xf: {  	[smem:$0x3FB1] =	sst s7  }
0x10: {  	[smem:$0x3FB2] =	sst s8  }
0x11: {  	[smem:$0x3FB3] =	sst s9;
	s0 =	simm.s32 @!p0 $0x0  }
0x12: {  	s1 =	sld [smem:$0x3F99];
	s0 =	simm.s32 @p0 $0x1  }
0x13: {  	[smem:$0x3FB4] =	sst s0;
	s0 =	simm.s32 @!p1 $0x0  }
0x14: {  	s2 =	sld [smem:$0x3F98];
	s0 =	simm.s32 @p1 $0x1  }
0x15: {  	[smem:$0x3FB5] =	sst s0;
	s0 =	simm.s32 @!p2 $0x0  }
0x16: {  	s3 =	sld [smem:$0x3FDB];
	s0 =	simm.s32 @p2 $0x1  }
0x17: {  	s4 =	simm.s32 $0x1BF5;
	[smem:$0x3FB7] =	sst s0  }
0x18: {  	s0 =	sld [smem:$0x3F9A];
	_ =	swait.ge [sflag:s4], $0x0  }
0x19: {  	s7 =	sld [smem:$0x3F9B]  }
0x1a: {  	s8 =	sadd.s32 $0xFFFFE003, lr  }
0x1b: {  	s9 =	sadd.s32 $0xFFFFFEF7, lr;
	s5 =	simm.s32 $0xFFFFFFFF;
	p2 =	slt.u32 s8, $0xFFFFF086  }
0x1c: {  	p1 =	slt.u32 s9, $0xF7A;
	s5 =	simm.s32 @!p2 $0x0  }
0x1d: {  	s5 =	simm.s32 @p1 $0x1;
	p0 =	seq.s32 s7, s2  }
0x1e: {  	s7 =	smul.u32 @!p0 $0xF7A, s2;
	p2 =	seq.s32 @!p0 s5, $0x0  }
0x1f: {  	s9 =	smul.u32 $0xF7A, s1;
	s8 =	simm.s32 @!p0 $0x1BF5;
	p2 =	por !p2, p0  }
0x20: {  	[sflag:s8] =	ssyncset.s32 @!p0 $0xFFFFF086;
	s6 =	sadd.s32 @!p0 s3, s7;
	s7 =	simm.s32 @!p0 $0x108  }
0x21: {  	s3 =	sadd.s32 s3, s9;
	s6 =	sadd.s32 @!p0 $0x88, s6;
	s7 =	simm.s32 @p2 $0x1082  }
0x22: {  	[simem:s7], [sflag:s8] =	dma.local @!p0 [hbm:s6], $0xF7A  }
0x23: {  	s9 =	sor.u32 $0xD0000000, s2;
	s6 =	simm.s32 $0x108;
	_ =	swait.ge @!p0 [sflag:s8], $0x0  }
0x24: {  	s3 =	sadd.s32 $0x88, s3;
	s6 =	simm.s32 @!p1 $0x1082;
	[sflag:s4] =	ssyncset.s32 $0xFFFFF086  }
0x25: {  	[simem:s6], [sflag:s4] =	dma.local [hbm:s3], $0xF7A  }
0x26: {  	[smem:$0x3F9B] =	sst s1;
	(tag) =	ssettag s2;
	_ =	strace s9  }
0x27: {  	s1 =	sld [smem:$0x3FAB]  }
0x28: {  	s2 =	sld [smem:$0x3FAC]  }
0x29: {  	s4 =	sld [smem:$0x3FAE]  }
0x2a: {  	p0 =	seq.s32 s5, $0x0;
	s5 =	sld [smem:$0x3FAF]  }
0x2b: {  	s6 =	sld [smem:$0x3FB0]  }
0x2c: {  	s7 =	sld [smem:$0x3FB1]  }
0x2d: {  	s3 =	simm.s32 $0x108;
	s8 =	sld [smem:$0x3FB2]  }
0x2e: {  	s3 =	simm.s32 @!p0 $0x1082;
	s9 =	sld [smem:$0x3FB3]  }
0x2f: {  	lr =	sadd.s32 s0, s3;
	s0 =	sld [smem:$0x3FAA]  }
0x30: {  	s3 =	sld [smem:$0x3FAD]  }
0x31: {  	[smem:$0x3FB6] =	sst s10  }
0x32: {  	s10 =	sld [smem:$0x3FB4];
	_ =	sdelay $0x3  }
0x33: {  	p0 =	seq.s32 s10, $0x1;
	s10 =	sld [smem:$0x3FB6];
	_ =	sdelay $0x3  }
0x34: {  	[smem:$0x3FB6] =	sst s10  }
0x35: {  	s10 =	sld [smem:$0x3FB5];
	_ =	sdelay $0x3  }
0x36: {  	p1 =	seq.s32 s10, $0x1;
	s10 =	sld [smem:$0x3FB6];
	_ =	sdelay $0x3  }
0x37: {  	[smem:$0x3FB6] =	sst s10  }
0x38: {  	s10 =	sld [smem:$0x3FB7]  }
0x39: {  	_ = 	snop;
	(pc) =	sbr.ind lr, $3  }
0x3a: {  	_ = 	snop  }
0x3b: {  	_ = 	snop  }
0x3c: {  	p2 =	seq.s32 s10, $0x1;
	s10 =	sld [smem:$0x3FB6]  }
0x3d: {  	_ =	shalt  }
0x3e: {  	_ =	shalt  }
0x3f: {  	_ =	shalt  }
0x40: {  	_ =	shalt  }
0x41: {  	_ =	shalt  }
0x42: {  	_ =	shalt  }
0x43: {  	_ =	shalt  }
0x44: {  	_ =	shalt  }
0x45: {  	_ =	shalt  }
0x46: {  	_ =	shalt  }
0x47: {  	_ =	shalt  }
0x48: {  	_ =	shalt  }
0x49: {  	_ =	shalt  }
0x4a: {  	_ =	shalt  }
0x4b: {  	_ =	shalt  }
0x4c: {  	_ =	shalt  }
0x4d: {  	_ =	shalt  }
0x4e: {  	_ =	shalt  }
0x4f: {  	_ =	shalt  }
0x50: {  	_ =	shalt  }
0x51: {  	_ =	shalt  }
0x52: {  	_ =	shalt  }
0x53: {  	_ =	shalt  }
0x54: {  	_ =	shalt  }
0x55: {  	_ =	shalt  }
0x56: {  	_ =	shalt  }
0x57: {  	_ =	shalt  }
0x58: {  	_ =	shalt  }
0x59: {  	_ =	shalt  }
0x5a: {  	_ =	shalt  }
0x5b: {  	_ =	shalt  }
0x5c: {  	_ =	shalt  }
0x5d: {  	_ =	shalt  }
0x5e: {  	_ =	shalt  }
0x5f: {  	_ =	shalt  }
0x60: {  	_ =	shalt  }
0x61: {  	_ =	shalt  }
0x62: {  	_ =	shalt  }
0x63: {  	_ =	shalt  }
0x64: {  	_ =	shalt  }
0x65: {  	_ =	shalt  }
0x66: {  	_ =	shalt  }
0x67: {  	_ =	shalt  }
0x68: {  	_ =	shalt  }
0x69: {  	_ =	shalt  }
0x6a: {  	_ =	shalt  }
0x6b: {  	_ =	shalt  }
0x6c: {  	_ =	shalt  }
0x6d: {  	_ =	shalt  }
0x6e: {  	_ =	shalt  }
0x6f: {  	_ =	shalt  }
0x70: {  	_ =	shalt  }
0x71: {  	_ =	shalt  }
0x72: {  	_ =	shalt  }
0x73: {  	_ =	shalt  }
0x74: {  	_ =	shalt  }
0x75: {  	_ =	shalt  }
0x76: {  	_ =	shalt  }
0x77: {  	_ =	shalt  }
0x78: {  	_ =	shalt  }
0x79: {  	_ =	shalt  }
0x7a: {  	_ =	shalt  }
0x7b: {  	_ =	shalt  }
0x7c: {  	_ =	shalt  }
0x7d: {  	_ =	shalt  }
0x7e: {  	_ =	shalt  }
0x7f: {  	_ =	shalt  }
0x80: {  	_ =	shalt  }
0x81: {  	_ =	shalt  }
0x82: {  	_ =	shalt  }
0x83: {  	_ =	shalt  }
0x84: {  	_ =	shalt  }
0x85: {  	_ =	shalt  }
0x86: {  	_ =	shalt  }
0x87: {  	_ =	shalt  }
.Lfunc_end0:
.L_simem_size_0:
called_computation.1_lowered:
.L_overlay_start_0:
0x88: {  	s2 =	sld [smem:$0x3FD9]  }
0x89: {  	s3 =	sld [smem:$0x3FFE];
	_ =	sdelay $0x1  }
0x8a: {  	s1 =	srdreg.scid  }
0x8b: {  	s0 =	sand.u32 $0x1, s1  }
0x8c: {  	s17 =	sshll.u32 s0, $0xA;
	s2 =	sadd.s32 s3, s2  }
0x8d: {  	s2 =	sadd.s32 s2, s17  }
0x8e: {  	[smem:$0x3FC2] =	sst s2  }
0x8f: {  	_ = 	snop  }
0x90: {  	s2 =	sld [smem:$0x3FD0];
	(tm) =	ssettm $0x1  }
0x91: {  	s18 =	sld [smem:$0x3FFB];
	_ =	sdelay $0x3  }
0x92: {  	_ =	strace s18  }
0x93: {  	s3 =	sld [smem:$0x3FFC];
	_ =	sdelay $0x3  }
0x94: {  	_ =	strace s3  }
0x95: {  	s3 =	sld [smem:$0x3FFD];
	_ =	sdelay $0x3  }
0x96: {  	_ =	strace s3  }
0x97: {  	_ =	strace $0x8FFFFFFF  }
0x98: {  	s19 =	sld [smem:$0x3FDB];
	_ =	sdelay $0x1  }
0x99: {  	s4 =	simm.s32 $_scs_section_size  }
0x9a: {  	s5 =	simm.s32 $_size__tile_overlayer_lowered;
	s6 =	simm.s32 $_tile_overlayer_lowered  }
0x9b: {  	s22 =	simm.s32 $0x1BFF;
	s21 =	sshll.u32 s6, $0x1;
	s3 =	sadd.s32 s4, s19  }
0x9c: {  	s7 =	simm.s32 $0x0;
	s20 =	sshll.u32 s5, $0x1;
	s5 =	sadd.s32 s21, s3  }
0x9d: {  	[timem:s7], [sflag:s22] =	dma.local [hbm:s5], s20  }
0x9e: {  	_ =	swait.ge [sflag:s22], s20  }
0x9f: {  	s4 =	ssub.s32 $0x0, s20;
	[sflag:s22] =	ssyncset.done $0x0  }
0xa0: {  	[sflag:s22] =	ssyncadd.s32 s4;
	_ =	sdelay $0x1  }
0xa1: {  	s23 =	simm.s32 $0x1B8B  }
0xa2: {  	_ =	swait.ge [sflag:s23], $0x1  }
0xa3: {  	[sflag:s23] =	ssyncset.done $0x0  }
0xa4: {  	s25 =	simm.s32 $0x1B8E;
	s24 =	sld [smem:$0x3FFE];
	[sflag:s23] =	ssyncadd.s32 $0xFFFFFFFF  }
0xa5: {  	s26 =	simm.s32 $execute0_lowered;
	[smem:$0x3FD2] =	sst s25  }
0xa6: {  	s5 =	sshll.u32 s26, $0x1;
	_ =	strace $0x80000049;
	[dreg:$0x1] =	wrdreg $0xFFFFFFFF  }
0xa7: {  	s28 =	simm.s32 $_size_execute0_lowered;
	s3 =	sadd.s32 s3, s5;
	[dreg:$0x0] =	wrdreg $0x0  }
0xa8: {  	s5 =	sshll.u32 s28, $0x1;
	[dreg:$0x2] =	wrdreg s3  }
0xa9: {  	[dreg:$0x3] =	wrdreg s5  }
0xaa: {  	[dreg:$0x4] =	wrdreg $0xC0  }
0xab: {  	_ =	task [dreg:s7], $0x5FFFF  }
0xac: {  	[dreg:$0x1] =	wrdreg $0xFFFFFFFF  }
0xad: {  	[dreg:$0x0] =	wrdreg $0x60  }
0xae: {  	[dreg:$0x2] =	wrdreg s2  }
0xaf: {  	[dreg:$0x3] =	wrdreg s24  }
0xb0: {  	[dreg:$0x4] =	wrdreg $0x41000  }
0xb1: {  	[dreg:$0x5] =	wrdreg $0x9  }
0xb2: {  	_ =	task.clear_ibuf [dreg:s7], $0x6FFFF;
	_ =	strace $0x90000049  }
0xb3: {  	s29 =	simm.s32 $0x9;
	_ =	strace $0x8000004B  }
0xb4: {  	_ =	swait.ge [sflag:s29], $0x1  }
0xb5: {  	[sflag:s29] =	ssyncadd.s32 $0xFFFFFFFF  }
0xb6: {  	_ =	strace $0x9000004B  }
0xb7: {  	_ =	sfence  }
0xb8: {  	s30 =	sld [smem:$0x0];
	_ =	sdelay $0x2  }
0xb9: {  	s31 =	sshll.u32 s1, $0xD;
	s1 =	sshrl.u32 s1, $0x2  }
0xba: {  	s3 =	sand.u32 $0x4000, s31;
	s1 =	sadd.s32 s1, s30  }
0xbb: {  	s0 =	sor.u32 s3, s0;
	s1 =	sshll.u32 s1, $0x11  }
0xbc: {  	s0 =	sor.u32 s1, s0  }
0xbd: {  	s0 =	sadd.s32 $0x8F2B, s0  }
0xbe: {  	[sflag:s0] =	ssyncadd.remote.s32 $0x1  }
0xbf: {  	_ =	sfence.sel $0xFFFF  }
0xc0: {  	[dreg:$0x0] =	wrdreg $0xFFFFFFFF;
	(pc) =	sbr.abs _section_cstart, $3  }
0xc1: {  	[dreg:$0x1] =	wrdreg $0xFFFFFFFF  }
0xc2: {  	_ =	task.clear_ibuf [dreg:s7], $0x2FFFF;
	_ =	strace $0x9FFFFFFF  }
0xc3: {  	(tm) =	ssettm $0x7FFFFFFF  }
tec
execute0_lowered:
.L_overlay_start_1:
0x0: {  	(tag) =	ssettag $0x1  }
0x1: {  	s0 =	rddreg [dreg:$0x0]  }
0x2: {  	s6 =	rddreg [dreg:$0x1];
	s1 =	srdreg.scid  }
0x3: {  	s3 =	rddreg [dreg:$0x2];
	s2 =	stileid.u32  }
0x4: {  	s4 =	simm.s32 $0x0;
	s14 =	simm.s32 $0x100;
	s8 =	smul.u32 $0x13C00, s2  }
0x5: {  	s15 =	simm.s32 $0x1;
	s16 =	simm.s32 $0x0;
	s10 =	smul.u32 $0x4F000, s2  }
0x6: {  	s7 =	sand.u32 $0x1, s1;
	s1 =	rddreg [dreg:$0x3];
	s11 =	smul.u32 $0x4F0, s2  }
0x7: {  	[smem:$0x7FF] =	sst s4;
	s30 =	sshll.u32 s2, $0x6;
	s5 =	smul.u32 $0x13C000, s7  }
0x8: {  	s9 =	smul.u32 $0x4F00, s7;
	_ =	strace $0x8000004A;
	s29 =	ssub.s32 $0x2, s7  }
0x9: {  	s7 =	sshrl.u32 s29, $0x1;
	s10 =	sshrl.u32 s10, $0x2;
	s5 =	sadd.s32 s8, s5  }
0xa: {  	s26 =	sadd.s32 s9, s6;
	s12 =	ssub.s32 s29, s7;
	s13 =	sadd.s32 s10, s3  }
0xb: {  	s28 =	sshrl.u32 s5, $0x3;
	s5 =	sadd.s32 $0x65800, s6;
	s31 =	sadd.s32 s11, s26  }
0xc: {  	s8 =	smax.u32 s12, $0x1;
	s11 =	sshrl.u32 s13, $0x3;
	s12 =	simm.s32 $0x2  }
0xd: {  	s13 =	simm.s32 $0x80;
	s9 =	sadd.s32 s28, s6;
	s6 =	sor.u32 $0x1C02, s30  }
0xe: {  	s10 =	sadd.s32 $0xD600, s31;
	s7 =	sadd.s32 $0x68000, s9;
	s9 =	sadd.s32 $0x3400, s31  }
.LBB2_1:
0xf: {  	[spmem:s11], [sflag:s6] =	dma.local [hbm:s5], $0x2780  }
0x10: {  	_ =	swait.ge [sflag:s12], $0x2780  }
0x11: {  	[sflag:s12] =	ssyncset.done $0x0  }
0x12: {  	[sflag:s12] =	ssyncadd.s32 $0xFFFFD880  }
0x13: {  	s17 =	sadd.s32 $0x0, s10;
	[bflag:$0x0] =	sbarrier.arrive $0xFFFF  }
0x14: {  	[tilespmem:s4], [sflag:$0x2] =	stream.linear.gather [hbm4b:s17+s4], $0x80, $0x38;
	[tilespmem:$0x17D00] =	vst v63  }
0x15: {  	_ =	swait.ge [sflag:s12], $0x80  }
0x16: {  	[sflag:s12] =	ssyncset.done $0x0  }
0x17: {  	s31 =	sadd.s32 $0x0, s9;
	[sflag:s12] =	ssyncadd.s32 $0xFFFFFF80  }
0x18: {  	[tilespmem:s13], [sflag:$0x2] =	stream.linear.gather [hbm4b:s31+s4], $0x80, $0x38;
	[tilespmem:$0x17D00] =	vst v63  }
0x19: {  	_ =	swait.ge [sflag:s12], $0x80  }
0x1a: {  	[sflag:s12] =	ssyncset.done $0x0  }
0x1b: {  	[sflag:s12] =	ssyncadd.s32 $0xFFFFFF80  }
0x1c: {  	[tilespmem:s14], [sflag:$0x1] =	stream.indirect.gather [hbm4b:s0+s13], $0x80, s4, s13, $0xb8;
	[tilespmem:$0x17D00] =	vst v63  }
0x1d: {  	_ =	swait.ge [sflag:s15], $0x4000  }
0x1e: {  	[sflag:s15] =	ssyncset.done $0x0  }
0x1f: {  	[sflag:s15] =	ssyncadd.s32 $0xFFFFC000  }
0x20: {  	[spmem:s3] =	stream.indirect.scatter.add.f32 [tilespmem:s14], [sflag:$0x2], $0x80, s13, s13, $0xb8;
	[tilespmem:$0x17D00] =	vst v63  }
0x21: {  	_ =	swait.ge [sflag:s12], $0x4000  }
0x22: {  	s18 =	simm.s32 $0x20;
	s17 =	simm.s32 $0x10;
	[sflag:s12] =	ssyncset.done $0x0  }
.LBB2_2:
0x23: {  	s19 =	sadd.s32 s17, s10  }
0x24: {  	[sflag:s12] =	ssyncadd.s32 $0xFFFFC000;
	s20 =	smov.u32 s18;
	s21 =	sadd.s32 $0x10, s18  }
0x25: {  	[tilespmem:s4], [sflag:$0x2] =	stream.linear.gather [hbm4b:s19+s4], $0x80, $0x38;
	[tilespmem:$0x17D00] =	vst v63  }
0x26: {  	p0 =	sne.s32 s18, $0x4E0;
	_ =	swait.ge [sflag:s12], $0x80  }
0x27: {  	[sflag:s12] =	ssyncset.done $0x0  }
0x28: {  	s18 =	sadd.s32 s17, s9;
	s17 =	smov.u32 s20;
	[sflag:s12] =	ssyncadd.s32 $0xFFFFFF80  }
0x29: {  	[tilespmem:s13], [sflag:$0x2] =	stream.linear.gather [hbm4b:s18+s4], $0x80, $0x38;
	[tilespmem:$0x17D00] =	vst v63  }
0x2a: {  	_ =	swait.ge [sflag:s12], $0x80  }
0x2b: {  	[sflag:s12] =	ssyncset.done $0x0  }
0x2c: {  	[sflag:s12] =	ssyncadd.s32 $0xFFFFFF80  }
0x2d: {  	[tilespmem:s14], [sflag:$0x1] =	stream.indirect.gather [hbm4b:s0+s13], $0x80, s4, s13, $0xb8;
	[tilespmem:$0x17D00] =	vst v63  }
0x2e: {  	_ =	swait.ge [sflag:s15], $0x4000  }
.Ltmp0:
0x2f: {  	[sflag:s15] =	ssyncset.done $0x0;
	(pc) =	sbr.rel @p0 .LBB2_2-.Ltmp0, $4  }
0x30: {  	[sflag:s15] =	ssyncadd.s32 $0xFFFFC000  }
0x31: {  	[spmem:s3] =	stream.indirect.scatter.add.f32 [tilespmem:s14], [sflag:$0x2], $0x80, s13, s13, $0xb8;
	[tilespmem:$0x17D00] =	vst v63  }
0x32: {  	_ =	swait.ge [sflag:s12], $0x4000  }
0x33: {  	s18 =	smov.u32 s21;
	[sflag:s12] =	ssyncset.done $0x0  }
0x34: {  	s18 =	sadd.s32 s17, s10;
	[sflag:s12] =	ssyncadd.s32 $0xFFFFC000  }
0x35: {  	[tilespmem:s4], [sflag:$0x2] =	stream.linear.gather [hbm4b:s18+s4], $0x80, $0x38;
	[tilespmem:$0x17D00] =	vst v63  }
0x36: {  	_ =	swait.ge [sflag:s12], $0x80  }
0x37: {  	[sflag:s12] =	ssyncset.done $0x0  }
0x38: {  	s31 =	sadd.s32 s17, s9;
	[sflag:s12] =	ssyncadd.s32 $0xFFFFFF80  }
0x39: {  	[tilespmem:s13], [sflag:$0x2] =	stream.linear.gather [hbm4b:s31+s4], $0x80, $0x38;
	[tilespmem:$0x17D00] =	vst v63  }
0x3a: {  	_ =	swait.ge [sflag:s12], $0x80  }
0x3b: {  	[sflag:s12] =	ssyncset.done $0x0  }
0x3c: {  	[sflag:s12] =	ssyncadd.s32 $0xFFFFFF80  }
0x3d: {  	[tilespmem:s14], [sflag:$0x1] =	stream.indirect.gather [hbm4b:s0+s13], $0x80, s4, s13, $0xb8;
	[tilespmem:$0x17D00] =	vst v63  }
0x3e: {  	_ =	swait.ge [sflag:s15], $0x4000  }
0x3f: {  	[sflag:s15] =	ssyncset.done $0x0  }
0x40: {  	[sflag:s15] =	ssyncadd.s32 $0xFFFFC000  }
0x41: {  	[spmem:s3] =	stream.indirect.scatter.add.f32 [tilespmem:s14], [sflag:$0x2], $0x80, s13, s13, $0xb8;
	[tilespmem:$0x17D00] =	vst v63  }
0x42: {  	_ =	swait.ge [sflag:s12], $0x4000  }
0x43: {  	s16 =	sadd.s32 $0x1, s16;
	[sflag:s12] =	ssyncset.done $0x0  }
0x44: {  	p0 =	sne.s32 s16, s8;
	[sflag:s12] =	ssyncadd.s32 $0xFFFFC000  }
.Ltmp1:
0x45: {  	[bflag:$0x0] =	sbarrier.arrive $0xFFFF;
	(pc) =	sbr.rel @p0 .LBB2_1-.Ltmp1, $4  }
0x46: {  	[hbm:s7], [sflag:s6] =	dma.local [spmem:s11], $0x2780  }
0x47: {  	_ =	swait.ge [sflag:s12], $0x2780  }
0x48: {  	[sflag:s12] =	ssyncset.done $0x0  }
0x49: {  	[sflag:s12] =	ssyncadd.s32 $0xFFFFD880  }
0x4a: {  	_ =	sfence.sel $0x180000  }
0x4b: {  	[bflag:$0x0] =	sbarrier.arrive $0xFFFF  }
0x4c: {  	p0 =	sne.s32 s2, $0x0;
	_ =	strace $0x9000004A  }
0x4d: {  	s0 =	sadd.s32 @!p0 $0x100000, s1;
	[bflag:$0x2] =	sbarrier.arrive $0xFFFF  }
0x4e: {  	[sflag:s0] =	ssyncadd.tile.s32 @!p0 $0x1;
	_ =	shalt  }
.Lfunc_end2:
_tile_overlayer_lowered:
.L_overlay_start_2:
0x4f: {  	(tag) =	ssettag $0x2  }
0x50: {  	s0 =	rddreg [dreg:$0x0];
	s2 =	stileid.u32  }
0x51: {  	s1 =	rddreg [dreg:$0x1];
	p0 =	sne.s32 s2, $0x0  }
0x52: {  	s3 =	rddreg [dreg:$0x2];
	[bflag:$0x3] =	sbarrier.arrive $0xFFFF;
	s2 =	simm.s32 @!p0 $0x1C02  }
0x53: {  	[timem:s3], [sflag:s2] =	dma.local @!p0 [hbm:s0], s1  }
0x54: {  	s0 =	simm.s32 @!p0 $0x2  }
0x55: {  	_ =	swait.ge @!p0 [sflag:s0], s1  }
0x56: {  	s1 =	ssub.s32 @!p0 $0x0, s1;
	[sflag:s0] =	ssyncset.done @!p0 $0x0  }
0x57: {  	[sflag:s0] =	ssyncadd.s32 @!p0 s1  }
0x58: {  	[bflag:$0x3] =	sbarrier.arrive $0xFFFF  }
0x59: {  	_ =	shalt  }

// kernel: kernel.15.cloned.1.call-start
scs
__scs_entry_jumppad:
0x0: {  	(pc) =	sbr.rel $0x88, $3  }
0x1: {  	(tag) =	ssettag $0x0;
	lr =	simm.s32 $0x1  }
0x2: {  	[smem:$0x3F9B] =	sst lr;
	_ =	strace $0xD0000000  }
0x3: {  	_ = 	snop  }
0x4: {  	_ = 	snop  }
0x5: {  	_ = 	snop  }
0x6: {  	_ = 	snop  }
0x7: {  	_ = 	snop  }
__scs_overlays_trampoline_lowered:
0x8: {  	[smem:$0x3FAA] =	sst s0  }
0x9: {  	[smem:$0x3FAB] =	sst s1  }
0xa: {  	[smem:$0x3FAC] =	sst s2  }
0xb: {  	[smem:$0x3FAD] =	sst s3  }
0xc: {  	[smem:$0x3FAE] =	sst s4  }
0xd: {  	[smem:$0x3FAF] =	sst s5  }
0xe: {  	[smem:$0x3FB0] =	sst s6  }
0xf: {  	[smem:$0x3FB1] =	sst s7  }
0x10: {  	[smem:$0x3FB2] =	sst s8  }
0x11: {  	[smem:$0x3FB3] =	sst s9;
	s0 =	simm.s32 @!p0 $0x0  }
0x12: {  	s1 =	sld [smem:$0x3F99];
	s0 =	simm.s32 @p0 $0x1  }
0x13: {  	[smem:$0x3FB4] =	sst s0;
	s0 =	simm.s32 @!p1 $0x0  }
0x14: {  	s2 =	sld [smem:$0x3F98];
	s0 =	simm.s32 @p1 $0x1  }
0x15: {  	[smem:$0x3FB5] =	sst s0;
	s0 =	simm.s32 @!p2 $0x0  }
0x16: {  	s3 =	sld [smem:$0x3FDB];
	s0 =	simm.s32 @p2 $0x1  }
0x17: {  	s4 =	simm.s32 $0x1BF5;
	[smem:$0x3FB7] =	sst s0  }
0x18: {  	s0 =	sld [smem:$0x3F9A];
	_ =	swait.ge [sflag:s4], $0x0  }
0x19: {  	s7 =	sld [smem:$0x3F9B]  }
0x1a: {  	s8 =	sadd.s32 $0xFFFFE003, lr  }
0x1b: {  	s9 =	sadd.s32 $0xFFFFFEF7, lr;
	s5 =	simm.s32 $0xFFFFFFFF;
	p2 =	slt.u32 s8, $0xFFFFF086  }
0x1c: {  	p1 =	slt.u32 s9, $0xF7A;
	s5 =	simm.s32 @!p2 $0x0  }
0x1d: {  	s5 =	simm.s32 @p1 $0x1;
	p0 =	seq.s32 s7, s2  }
0x1e: {  	s7 =	smul.u32 @!p0 $0xF7A, s2;
	p2 =	seq.s32 @!p0 s5, $0x0  }
0x1f: {  	s9 =	smul.u32 $0xF7A, s1;
	s8 =	simm.s32 @!p0 $0x1BF5;
	p2 =	por !p2, p0  }
0x20: {  	[sflag:s8] =	ssyncset.s32 @!p0 $0xFFFFF086;
	s6 =	sadd.s32 @!p0 s3, s7;
	s7 =	simm.s32 @!p0 $0x108  }
0x21: {  	s3 =	sadd.s32 s3, s9;
	s6 =	sadd.s32 @!p0 $0x88, s6;
	s7 =	simm.s32 @p2 $0x1082  }
0x22: {  	[simem:s7], [sflag:s8] =	dma.local @!p0 [hbm:s6], $0xF7A  }
0x23: {  	s9 =	sor.u32 $0xD0000000, s2;
	s6 =	simm.s32 $0x108;
	_ =	swait.ge @!p0 [sflag:s8], $0x0  }
0x24: {  	s3 =	sadd.s32 $0x88, s3;
	s6 =	simm.s32 @!p1 $0x1082;
	[sflag:s4] =	ssyncset.s32 $0xFFFFF086  }
0x25: {  	[simem:s6], [sflag:s4] =	dma.local [hbm:s3], $0xF7A  }
0x26: {  	[smem:$0x3F9B] =	sst s1;
	(tag) =	ssettag s2;
	_ =	strace s9  }
0x27: {  	s1 =	sld [smem:$0x3FAB]  }
0x28: {  	s2 =	sld [smem:$0x3FAC]  }
0x29: {  	s4 =	sld [smem:$0x3FAE]  }
0x2a: {  	p0 =	seq.s32 s5, $0x0;
	s5 =	sld [smem:$0x3FAF]  }
0x2b: {  	s6 =	sld [smem:$0x3FB0]  }
0x2c: {  	s7 =	sld [smem:$0x3FB1]  }
0x2d: {  	s3 =	simm.s32 $0x108;
	s8 =	sld [smem:$0x3FB2]  }
0x2e: {  	s3 =	simm.s32 @!p0 $0x1082;
	s9 =	sld [smem:$0x3FB3]  }
0x2f: {  	lr =	sadd.s32 s0, s3;
	s0 =	sld [smem:$0x3FAA]  }
0x30: {  	s3 =	sld [smem:$0x3FAD]  }
0x31: {  	[smem:$0x3FB6] =	sst s10  }
0x32: {  	s10 =	sld [smem:$0x3FB4];
	_ =	sdelay $0x3  }
0x33: {  	p0 =	seq.s32 s10, $0x1;
	s10 =	sld [smem:$0x3FB6];
	_ =	sdelay $0x3  }
0x34: {  	[smem:$0x3FB6] =	sst s10  }
0x35: {  	s10 =	sld [smem:$0x3FB5];
	_ =	sdelay $0x3  }
0x36: {  	p1 =	seq.s32 s10, $0x1;
	s10 =	sld [smem:$0x3FB6];
	_ =	sdelay $0x3  }
0x37: {  	[smem:$0x3FB6] =	sst s10  }
0x38: {  	s10 =	sld [smem:$0x3FB7]  }
0x39: {  	_ = 	snop;
	(pc) =	sbr.ind lr, $3  }
0x3a: {  	_ = 	snop  }
0x3b: {  	_ = 	snop  }
0x3c: {  	p2 =	seq.s32 s10, $0x1;
	s10 =	sld [smem:$0x3FB6]  }
0x3d: {  	_ =	shalt  }
0x3e: {  	_ =	shalt  }
0x3f: {  	_ =	shalt  }
0x40: {  	_ =	shalt  }
0x41: {  	_ =	shalt  }
0x42: {  	_ =	shalt  }
0x43: {  	_ =	shalt  }
0x44: {  	_ =	shalt  }
0x45: {  	_ =	shalt  }
0x46: {  	_ =	shalt  }
0x47: {  	_ =	shalt  }
0x48: {  	_ =	shalt  }
0x49: {  	_ =	shalt  }
0x4a: {  	_ =	shalt  }
0x4b: {  	_ =	shalt  }
0x4c: {  	_ =	shalt  }
0x4d: {  	_ =	shalt  }
0x4e: {  	_ =	shalt  }
0x4f: {  	_ =	shalt  }
0x50: {  	_ =	shalt  }
0x51: {  	_ =	shalt  }
0x52: {  	_ =	shalt  }
0x53: {  	_ =	shalt  }
0x54: {  	_ =	shalt  }
0x55: {  	_ =	shalt  }
0x56: {  	_ =	shalt  }
0x57: {  	_ =	shalt  }
0x58: {  	_ =	shalt  }
0x59: {  	_ =	shalt  }
0x5a: {  	_ =	shalt  }
0x5b: {  	_ =	shalt  }
0x5c: {  	_ =	shalt  }
0x5d: {  	_ =	shalt  }
0x5e: {  	_ =	shalt  }
0x5f: {  	_ =	shalt  }
0x60: {  	_ =	shalt  }
0x61: {  	_ =	shalt  }
0x62: {  	_ =	shalt  }
0x63: {  	_ =	shalt  }
0x64: {  	_ =	shalt  }
0x65: {  	_ =	shalt  }
0x66: {  	_ =	shalt  }
0x67: {  	_ =	shalt  }
0x68: {  	_ =	shalt  }
0x69: {  	_ =	shalt  }
0x6a: {  	_ =	shalt  }
0x6b: {  	_ =	shalt  }
0x6c: {  	_ =	shalt  }
0x6d: {  	_ =	shalt  }
0x6e: {  	_ =	shalt  }
0x6f: {  	_ =	shalt  }
0x70: {  	_ =	shalt  }
0x71: {  	_ =	shalt  }
0x72: {  	_ =	shalt  }
0x73: {  	_ =	shalt  }
0x74: {  	_ =	shalt  }
0x75: {  	_ =	shalt  }
0x76: {  	_ =	shalt  }
0x77: {  	_ =	shalt  }
0x78: {  	_ =	shalt  }
0x79: {  	_ =	shalt  }
0x7a: {  	_ =	shalt  }
0x7b: {  	_ =	shalt  }
0x7c: {  	_ =	shalt  }
0x7d: {  	_ =	shalt  }
0x7e: {  	_ =	shalt  }
0x7f: {  	_ =	shalt  }
0x80: {  	_ =	shalt  }
0x81: {  	_ =	shalt  }
0x82: {  	_ =	shalt  }
0x83: {  	_ =	shalt  }
0x84: {  	_ =	shalt  }
0x85: {  	_ =	shalt  }
0x86: {  	_ =	shalt  }
0x87: {  	_ =	shalt  }
.Lfunc_end0:
.L_simem_size_0:
called_computation.2_lowered:
.L_overlay_start_0:
0x88: {  	s2 =	sld [smem:$0x3FD9]  }
0x89: {  	s3 =	sld [smem:$0x3FFE];
	_ =	sdelay $0x1  }
0x8a: {  	s1 =	srdreg.scid  }
0x8b: {  	s0 =	sand.u32 $0x1, s1  }
0x8c: {  	s17 =	sshll.u32 s0, $0xA;
	s2 =	sadd.s32 s3, s2  }
0x8d: {  	s2 =	sadd.s32 s2, s17  }
0x8e: {  	[smem:$0x3FC2] =	sst s2  }
0x8f: {  	_ = 	snop  }
0x90: {  	s2 =	sld [smem:$0x3FD0];
	(tm) =	ssettm $0x1  }
0x91: {  	s18 =	sld [smem:$0x3FFB];
	_ =	sdelay $0x3  }
0x92: {  	_ =	strace s18  }
0x93: {  	s3 =	sld [smem:$0x3FFC];
	_ =	sdelay $0x3  }
0x94: {  	_ =	strace s3  }
0x95: {  	s3 =	sld [smem:$0x3FFD];
	_ =	sdelay $0x3  }
0x96: {  	_ =	strace s3  }
0x97: {  	_ =	strace $0x8FFFFFFF  }
0x98: {  	s19 =	sld [smem:$0x3FDB];
	_ =	sdelay $0x1  }
0x99: {  	s4 =	simm.s32 $_scs_section_size  }
0x9a: {  	s5 =	simm.s32 $_size__tile_overlayer_lowered;
	s6 =	simm.s32 $_tile_overlayer_lowered  }
0x9b: {  	s22 =	simm.s32 $0x1BFF;
	s21 =	sshll.u32 s6, $0x1;
	s3 =	sadd.s32 s4, s19  }
0x9c: {  	s7 =	simm.s32 $0x0;
	s20 =	sshll.u32 s5, $0x1;
	s5 =	sadd.s32 s21, s3  }
0x9d: {  	[timem:s7], [sflag:s22] =	dma.local [hbm:s5], s20  }
0x9e: {  	_ =	swait.ge [sflag:s22], s20  }
0x9f: {  	s4 =	ssub.s32 $0x0, s20;
	[sflag:s22] =	ssyncset.done $0x0  }
0xa0: {  	[sflag:s22] =	ssyncadd.s32 s4;
	_ =	sdelay $0x1  }
0xa1: {  	s23 =	simm.s32 $0x1B8B  }
0xa2: {  	_ =	swait.ge [sflag:s23], $0x1  }
0xa3: {  	[sflag:s23] =	ssyncset.done $0x0  }
0xa4: {  	s25 =	simm.s32 $0x1B8E;
	s24 =	sld [smem:$0x3FFE];
	[sflag:s23] =	ssyncadd.s32 $0xFFFFFFFF  }
0xa5: {  	s26 =	simm.s32 $execute0_lowered;
	[smem:$0x3FD2] =	sst s25  }
0xa6: {  	s5 =	sshll.u32 s26, $0x1;
	_ =	strace $0x8000004C;
	[dreg:$0x1] =	wrdreg $0xFFFFFFFF  }
0xa7: {  	s28 =	simm.s32 $_size_execute0_lowered;
	s3 =	sadd.s32 s3, s5;
	[dreg:$0x0] =	wrdreg $0x0  }
0xa8: {  	s5 =	sshll.u32 s28, $0x1;
	[dreg:$0x2] =	wrdreg s3  }
0xa9: {  	[dreg:$0x3] =	wrdreg s5  }
0xaa: {  	[dreg:$0x4] =	wrdreg $0xC0  }
0xab: {  	_ =	task [dreg:s7], $0x5FFFF  }
0xac: {  	[dreg:$0x1] =	wrdreg $0xFFFFFFFF  }
0xad: {  	[dreg:$0x0] =	wrdreg $0x60  }
0xae: {  	[dreg:$0x2] =	wrdreg s2  }
0xaf: {  	[dreg:$0x3] =	wrdreg s24  }
0xb0: {  	[dreg:$0x4] =	wrdreg $0x41000  }
0xb1: {  	[dreg:$0x5] =	wrdreg $0x9  }
0xb2: {  	_ =	task.clear_ibuf [dreg:s7], $0x6FFFF;
	_ =	strace $0x9000004C  }
0xb3: {  	s29 =	simm.s32 $0x9;
	_ =	strace $0x8000004E  }
0xb4: {  	_ =	swait.ge [sflag:s29], $0x1  }
0xb5: {  	[sflag:s29] =	ssyncadd.s32 $0xFFFFFFFF  }
0xb6: {  	_ =	strace $0x9000004E  }
0xb7: {  	_ =	sfence  }
0xb8: {  	s30 =	sld [smem:$0x0];
	_ =	sdelay $0x2  }
0xb9: {  	s31 =	sshll.u32 s1, $0xD;
	s1 =	sshrl.u32 s1, $0x2  }
0xba: {  	s3 =	sand.u32 $0x4000, s31;
	s1 =	sadd.s32 s1, s30  }
0xbb: {  	s0 =	sor.u32 s3, s0;
	s1 =	sshll.u32 s1, $0x11  }
0xbc: {  	s0 =	sor.u32 s1, s0  }
0xbd: {  	s0 =	sadd.s32 $0x8F2B, s0  }
0xbe: {  	[sflag:s0] =	ssyncadd.remote.s32 $0x1  }
0xbf: {  	_ =	sfence.sel $0xFFFF  }
0xc0: {  	[dreg:$0x0] =	wrdreg $0xFFFFFFFF;
	(pc) =	sbr.abs _section_cstart, $3  }
0xc1: {  	[dreg:$0x1] =	wrdreg $0xFFFFFFFF  }
0xc2: {  	_ =	task.clear_ibuf [dreg:s7], $0x2FFFF;
	_ =	strace $0x9FFFFFFF  }
0xc3: {  	(tm) =	ssettm $0x7FFFFFFF  }
tec
execute0_lowered:
.L_overlay_start_1:
0x0: {  	(tag) =	ssettag $0x1  }
0x1: {  	s0 =	rddreg [dreg:$0x0]  }
0x2: {  	s6 =	rddreg [dreg:$0x1];
	s1 =	srdreg.scid  }
0x3: {  	s3 =	rddreg [dreg:$0x2];
	s2 =	stileid.u32  }
0x4: {  	s4 =	simm.s32 $0x0;
	s14 =	simm.s32 $0x100;
	s8 =	smul.u32 $0x13C00, s2  }
0x5: {  	s15 =	simm.s32 $0x1;
	s16 =	simm.s32 $0x0;
	s10 =	smul.u32 $0x4F000, s2  }
0x6: {  	s7 =	sand.u32 $0x1, s1;
	s1 =	rddreg [dreg:$0x3];
	s11 =	smul.u32 $0x4F0, s2  }
0x7: {  	[smem:$0x7FF] =	sst s4;
	s30 =	sshll.u32 s2, $0x6;
	s5 =	smul.u32 $0x13C000, s7  }
0x8: {  	s9 =	smul.u32 $0x4F00, s7;
	_ =	strace $0x8000004D;
	s29 =	ssub.s32 $0x2, s7  }
0x9: {  	s7 =	sshrl.u32 s29, $0x1;
	s10 =	sshrl.u32 s10, $0x2;
	s5 =	sadd.s32 s8, s5  }
0xa: {  	s26 =	sadd.s32 s9, s6;
	s12 =	ssub.s32 s29, s7;
	s13 =	sadd.s32 s10, s3  }
0xb: {  	s28 =	sshrl.u32 s5, $0x3;
	s5 =	sadd.s32 $0x65800, s6;
	s31 =	sadd.s32 s11, s26  }
0xc: {  	s8 =	smax.u32 s12, $0x1;
	s11 =	sshrl.u32 s13, $0x3;
	s12 =	simm.s32 $0x2  }
0xd: {  	s13 =	simm.s32 $0x80;
	s9 =	sadd.s32 s28, s6;
	s6 =	sor.u32 $0x1C02, s30  }
0xe: {  	s10 =	sadd.s32 $0xD600, s31;
	s7 =	sadd.s32 $0x68000, s9;
	s9 =	sadd.s32 $0x3400, s31  }
.LBB2_1:
0xf: {  	[spmem:s11], [sflag:s6] =	dma.local [hbm:s5], $0x2780  }
0x10: {  	_ =	swait.ge [sflag:s12], $0x2780  }
0x11: {  	[sflag:s12] =	ssyncset.done $0x0  }
0x12: {  	[sflag:s12] =	ssyncadd.s32 $0xFFFFD880  }
0x13: {  	s17 =	sadd.s32 $0x0, s10;
	[bflag:$0x0] =	sbarrier.arrive $0xFFFF  }
0x14: {  	[tilespmem:s4], [sflag:$0x2] =	stream.linear.gather [hbm4b:s17+s4], $0x80, $0x38;
	[tilespmem:$0x17D00] =	vst v63  }
0x15: {  	_ =	swait.ge [sflag:s12], $0x80  }
0x16: {  	[sflag:s12] =	ssyncset.done $0x0  }
0x17: {  	s31 =	sadd.s32 $0x0, s9;
	[sflag:s12] =	ssyncadd.s32 $0xFFFFFF80  }
0x18: {  	[tilespmem:s13], [sflag:$0x2] =	stream.linear.gather [hbm4b:s31+s4], $0x80, $0x38;
	[tilespmem:$0x17D00] =	vst v63  }
0x19: {  	_ =	swait.ge [sflag:s12], $0x80  }
0x1a: {  	[sflag:s12] =	ssyncset.done $0x0  }
0x1b: {  	[sflag:s12] =	ssyncadd.s32 $0xFFFFFF80  }
0x1c: {  	[tilespmem:s14], [sflag:$0x1] =	stream.indirect.gather [hbm4b:s0+s13], $0x80, s4, s13, $0xb8;
	[tilespmem:$0x17D00] =	vst v63  }
0x1d: {  	_ =	swait.ge [sflag:s15], $0x4000  }
0x1e: {  	[sflag:s15] =	ssyncset.done $0x0  }
0x1f: {  	[sflag:s15] =	ssyncadd.s32 $0xFFFFC000  }
0x20: {  	[spmem:s3] =	stream.indirect.scatter.add.f32 [tilespmem:s14], [sflag:$0x2], $0x80, s13, s13, $0xb8;
	[tilespmem:$0x17D00] =	vst v63  }
0x21: {  	_ =	swait.ge [sflag:s12], $0x4000  }
0x22: {  	s18 =	simm.s32 $0x20;
	s17 =	simm.s32 $0x10;
	[sflag:s12] =	ssyncset.done $0x0  }
.LBB2_2:
0x23: {  	s19 =	sadd.s32 s17, s10  }
0x24: {  	[sflag:s12] =	ssyncadd.s32 $0xFFFFC000;
	s20 =	smov.u32 s18;
	s21 =	sadd.s32 $0x10, s18  }
0x25: {  	[tilespmem:s4], [sflag:$0x2] =	stream.linear.gather [hbm4b:s19+s4], $0x80, $0x38;
	[tilespmem:$0x17D00] =	vst v63  }
0x26: {  	p0 =	sne.s32 s18, $0x4E0;
	_ =	swait.ge [sflag:s12], $0x80  }
0x27: {  	[sflag:s12] =	ssyncset.done $0x0  }
0x28: {  	s18 =	sadd.s32 s17, s9;
	s17 =	smov.u32 s20;
	[sflag:s12] =	ssyncadd.s32 $0xFFFFFF80  }
0x29: {  	[tilespmem:s13], [sflag:$0x2] =	stream.linear.gather [hbm4b:s18+s4], $0x80, $0x38;
	[tilespmem:$0x17D00] =	vst v63  }
0x2a: {  	_ =	swait.ge [sflag:s12], $0x80  }
0x2b: {  	[sflag:s12] =	ssyncset.done $0x0  }
0x2c: {  	[sflag:s12] =	ssyncadd.s32 $0xFFFFFF80  }
0x2d: {  	[tilespmem:s14], [sflag:$0x1] =	stream.indirect.gather [hbm4b:s0+s13], $0x80, s4, s13, $0xb8;
	[tilespmem:$0x17D00] =	vst v63  }
0x2e: {  	_ =	swait.ge [sflag:s15], $0x4000  }
.Ltmp0:
0x2f: {  	[sflag:s15] =	ssyncset.done $0x0;
	(pc) =	sbr.rel @p0 .LBB2_2-.Ltmp0, $4  }
0x30: {  	[sflag:s15] =	ssyncadd.s32 $0xFFFFC000  }
0x31: {  	[spmem:s3] =	stream.indirect.scatter.add.f32 [tilespmem:s14], [sflag:$0x2], $0x80, s13, s13, $0xb8;
	[tilespmem:$0x17D00] =	vst v63  }
0x32: {  	_ =	swait.ge [sflag:s12], $0x4000  }
0x33: {  	s18 =	smov.u32 s21;
	[sflag:s12] =	ssyncset.done $0x0  }
0x34: {  	s18 =	sadd.s32 s17, s10;
	[sflag:s12] =	ssyncadd.s32 $0xFFFFC000  }
0x35: {  	[tilespmem:s4], [sflag:$0x2] =	stream.linear.gather [hbm4b:s18+s4], $0x80, $0x38;
	[tilespmem:$0x17D00] =	vst v63  }
0x36: {  	_ =	swait.ge [sflag:s12], $0x80  }
0x37: {  	[sflag:s12] =	ssyncset.done $0x0  }
0x38: {  	s31 =	sadd.s32 s17, s9;
	[sflag:s12] =	ssyncadd.s32 $0xFFFFFF80  }
0x39: {  	[tilespmem:s13], [sflag:$0x2] =	stream.linear.gather [hbm4b:s31+s4], $0x80, $0x38;
	[tilespmem:$0x17D00] =	vst v63  }
0x3a: {  	_ =	swait.ge [sflag:s12], $0x80  }
0x3b: {  	[sflag:s12] =	ssyncset.done $0x0  }
0x3c: {  	[sflag:s12] =	ssyncadd.s32 $0xFFFFFF80  }
0x3d: {  	[tilespmem:s14], [sflag:$0x1] =	stream.indirect.gather [hbm4b:s0+s13], $0x80, s4, s13, $0xb8;
	[tilespmem:$0x17D00] =	vst v63  }
0x3e: {  	_ =	swait.ge [sflag:s15], $0x4000  }
0x3f: {  	[sflag:s15] =	ssyncset.done $0x0  }
0x40: {  	[sflag:s15] =	ssyncadd.s32 $0xFFFFC000  }
0x41: {  	[spmem:s3] =	stream.indirect.scatter.add.f32 [tilespmem:s14], [sflag:$0x2], $0x80, s13, s13, $0xb8;
	[tilespmem:$0x17D00] =	vst v63  }
0x42: {  	_ =	swait.ge [sflag:s12], $0x4000  }
0x43: {  	s16 =	sadd.s32 $0x1, s16;
	[sflag:s12] =	ssyncset.done $0x0  }
0x44: {  	p0 =	sne.s32 s16, s8;
	[sflag:s12] =	ssyncadd.s32 $0xFFFFC000  }
.Ltmp1:
0x45: {  	[bflag:$0x0] =	sbarrier.arrive $0xFFFF;
	(pc) =	sbr.rel @p0 .LBB2_1-.Ltmp1, $4  }
0x46: {  	[hbm:s7], [sflag:s6] =	dma.local [spmem:s11], $0x2780  }
0x47: {  	_ =	swait.ge [sflag:s12], $0x2780  }
0x48: {  	[sflag:s12] =	ssyncset.done $0x0  }
0x49: {  	[sflag:s12] =	ssyncadd.s32 $0xFFFFD880  }
0x4a: {  	_ =	sfence.sel $0x180000  }
0x4b: {  	[bflag:$0x0] =	sbarrier.arrive $0xFFFF  }
0x4c: {  	p0 =	sne.s32 s2, $0x0;
	_ =	strace $0x9000004D  }
0x4d: {  	s0 =	sadd.s32 @!p0 $0x100000, s1;
	[bflag:$0x2] =	sbarrier.arrive $0xFFFF  }
0x4e: {  	[sflag:s0] =	ssyncadd.tile.s32 @!p0 $0x1;
	_ =	shalt  }
.Lfunc_end2:
_tile_overlayer_lowered:
.L_overlay_start_2:
0x4f: {  	(tag) =	ssettag $0x2  }
0x50: {  	s0 =	rddreg [dreg:$0x0];
	s2 =	stileid.u32  }
0x51: {  	s1 =	rddreg [dreg:$0x1];
	p0 =	sne.s32 s2, $0x0  }
0x52: {  	s3 =	rddreg [dreg:$0x2];
	[bflag:$0x3] =	sbarrier.arrive $0xFFFF;
	s2 =	simm.s32 @!p0 $0x1C02  }
0x53: {  	[timem:s3], [sflag:s2] =	dma.local @!p0 [hbm:s0], s1  }
0x54: {  	s0 =	simm.s32 @!p0 $0x2  }
0x55: {  	_ =	swait.ge @!p0 [sflag:s0], s1  }
0x56: {  	s1 =	ssub.s32 @!p0 $0x0, s1;
	[sflag:s0] =	ssyncset.done @!p0 $0x0  }
0x57: {  	[sflag:s0] =	ssyncadd.s32 @!p0 s1  }
0x58: {  	[bflag:$0x3] =	sbarrier.arrive $0xFFFF  }
0x59: {  	_ =	shalt  }

// kernel: kernel.9.cloned.1.call-start
scs
__scs_entry_jumppad:
0x0: {  	(pc) =	sbr.rel $0x88, $3  }
0x1: {  	(tag) =	ssettag $0x0;
	lr =	simm.s32 $0x1  }
0x2: {  	[smem:$0x3F9B] =	sst lr;
	_ =	strace $0xD0000000  }
0x3: {  	_ = 	snop  }
0x4: {  	_ = 	snop  }
0x5: {  	_ = 	snop  }
0x6: {  	_ = 	snop  }
0x7: {  	_ = 	snop  }
__scs_overlays_trampoline_lowered:
0x8: {  	[smem:$0x3FAA] =	sst s0  }
0x9: {  	[smem:$0x3FAB] =	sst s1  }
0xa: {  	[smem:$0x3FAC] =	sst s2  }
0xb: {  	[smem:$0x3FAD] =	sst s3  }
0xc: {  	[smem:$0x3FAE] =	sst s4  }
0xd: {  	[smem:$0x3FAF] =	sst s5  }
0xe: {  	[smem:$0x3FB0] =	sst s6  }
0xf: {  	[smem:$0x3FB1] =	sst s7  }
0x10: {  	[smem:$0x3FB2] =	sst s8  }
0x11: {  	[smem:$0x3FB3] =	sst s9;
	s0 =	simm.s32 @!p0 $0x0  }
0x12: {  	s1 =	sld [smem:$0x3F99];
	s0 =	simm.s32 @p0 $0x1  }
0x13: {  	[smem:$0x3FB4] =	sst s0;
	s0 =	simm.s32 @!p1 $0x0  }
0x14: {  	s2 =	sld [smem:$0x3F98];
	s0 =	simm.s32 @p1 $0x1  }
0x15: {  	[smem:$0x3FB5] =	sst s0;
	s0 =	simm.s32 @!p2 $0x0  }
0x16: {  	s3 =	sld [smem:$0x3FDB];
	s0 =	simm.s32 @p2 $0x1  }
0x17: {  	s4 =	simm.s32 $0x1BF5;
	[smem:$0x3FB7] =	sst s0  }
0x18: {  	s0 =	sld [smem:$0x3F9A];
	_ =	swait.ge [sflag:s4], $0x0  }
0x19: {  	s7 =	sld [smem:$0x3F9B]  }
0x1a: {  	s8 =	sadd.s32 $0xFFFFE003, lr  }
0x1b: {  	s9 =	sadd.s32 $0xFFFFFEF7, lr;
	s5 =	simm.s32 $0xFFFFFFFF;
	p2 =	slt.u32 s8, $0xFFFFF086  }
0x1c: {  	p1 =	slt.u32 s9, $0xF7A;
	s5 =	simm.s32 @!p2 $0x0  }
0x1d: {  	s5 =	simm.s32 @p1 $0x1;
	p0 =	seq.s32 s7, s2  }
0x1e: {  	s7 =	smul.u32 @!p0 $0xF7A, s2;
	p2 =	seq.s32 @!p0 s5, $0x0  }
0x1f: {  	s9 =	smul.u32 $0xF7A, s1;
	s8 =	simm.s32 @!p0 $0x1BF5;
	p2 =	por !p2, p0  }
0x20: {  	[sflag:s8] =	ssyncset.s32 @!p0 $0xFFFFF086;
	s6 =	sadd.s32 @!p0 s3, s7;
	s7 =	simm.s32 @!p0 $0x108  }
0x21: {  	s3 =	sadd.s32 s3, s9;
	s6 =	sadd.s32 @!p0 $0x88, s6;
	s7 =	simm.s32 @p2 $0x1082  }
0x22: {  	[simem:s7], [sflag:s8] =	dma.local @!p0 [hbm:s6], $0xF7A  }
0x23: {  	s9 =	sor.u32 $0xD0000000, s2;
	s6 =	simm.s32 $0x108;
	_ =	swait.ge @!p0 [sflag:s8], $0x0  }
0x24: {  	s3 =	sadd.s32 $0x88, s3;
	s6 =	simm.s32 @!p1 $0x1082;
	[sflag:s4] =	ssyncset.s32 $0xFFFFF086  }
0x25: {  	[simem:s6], [sflag:s4] =	dma.local [hbm:s3], $0xF7A  }
0x26: {  	[smem:$0x3F9B] =	sst s1;
	(tag) =	ssettag s2;
	_ =	strace s9  }
0x27: {  	s1 =	sld [smem:$0x3FAB]  }
0x28: {  	s2 =	sld [smem:$0x3FAC]  }
0x29: {  	s4 =	sld [smem:$0x3FAE]  }
0x2a: {  	p0 =	seq.s32 s5, $0x0;
	s5 =	sld [smem:$0x3FAF]  }
0x2b: {  	s6 =	sld [smem:$0x3FB0]  }
0x2c: {  	s7 =	sld [smem:$0x3FB1]  }
0x2d: {  	s3 =	simm.s32 $0x108;
	s8 =	sld [smem:$0x3FB2]  }
0x2e: {  	s3 =	simm.s32 @!p0 $0x1082;
	s9 =	sld [smem:$0x3FB3]  }
0x2f: {  	lr =	sadd.s32 s0, s3;
	s0 =	sld [smem:$0x3FAA]  }
0x30: {  	s3 =	sld [smem:$0x3FAD]  }
0x31: {  	[smem:$0x3FB6] =	sst s10  }
0x32: {  	s10 =	sld [smem:$0x3FB4];
	_ =	sdelay $0x3  }
0x33: {  	p0 =	seq.s32 s10, $0x1;
	s10 =	sld [smem:$0x3FB6];
	_ =	sdelay $0x3  }
0x34: {  	[smem:$0x3FB6] =	sst s10  }
0x35: {  	s10 =	sld [smem:$0x3FB5];
	_ =	sdelay $0x3  }
0x36: {  	p1 =	seq.s32 s10, $0x1;
	s10 =	sld [smem:$0x3FB6];
	_ =	sdelay $0x3  }
0x37: {  	[smem:$0x3FB6] =	sst s10  }
0x38: {  	s10 =	sld [smem:$0x3FB7]  }
0x39: {  	_ = 	snop;
	(pc) =	sbr.ind lr, $3  }
0x3a: {  	_ = 	snop  }
0x3b: {  	_ = 	snop  }
0x3c: {  	p2 =	seq.s32 s10, $0x1;
	s10 =	sld [smem:$0x3FB6]  }
0x3d: {  	_ =	shalt  }
0x3e: {  	_ =	shalt  }
0x3f: {  	_ =	shalt  }
0x40: {  	_ =	shalt  }
0x41: {  	_ =	shalt  }
0x42: {  	_ =	shalt  }
0x43: {  	_ =	shalt  }
0x44: {  	_ =	shalt  }
0x45: {  	_ =	shalt  }
0x46: {  	_ =	shalt  }
0x47: {  	_ =	shalt  }
0x48: {  	_ =	shalt  }
0x49: {  	_ =	shalt  }
0x4a: {  	_ =	shalt  }
0x4b: {  	_ =	shalt  }
0x4c: {  	_ =	shalt  }
0x4d: {  	_ =	shalt  }
0x4e: {  	_ =	shalt  }
0x4f: {  	_ =	shalt  }
0x50: {  	_ =	shalt  }
0x51: {  	_ =	shalt  }
0x52: {  	_ =	shalt  }
0x53: {  	_ =	shalt  }
0x54: {  	_ =	shalt  }
0x55: {  	_ =	shalt  }
0x56: {  	_ =	shalt  }
0x57: {  	_ =	shalt  }
0x58: {  	_ =	shalt  }
0x59: {  	_ =	shalt  }
0x5a: {  	_ =	shalt  }
0x5b: {  	_ =	shalt  }
0x5c: {  	_ =	shalt  }
0x5d: {  	_ =	shalt  }
0x5e: {  	_ =	shalt  }
0x5f: {  	_ =	shalt  }
0x60: {  	_ =	shalt  }
0x61: {  	_ =	shalt  }
0x62: {  	_ =	shalt  }
0x63: {  	_ =	shalt  }
0x64: {  	_ =	shalt  }
0x65: {  	_ =	shalt  }
0x66: {  	_ =	shalt  }
0x67: {  	_ =	shalt  }
0x68: {  	_ =	shalt  }
0x69: {  	_ =	shalt  }
0x6a: {  	_ =	shalt  }
0x6b: {  	_ =	shalt  }
0x6c: {  	_ =	shalt  }
0x6d: {  	_ =	shalt  }
0x6e: {  	_ =	shalt  }
0x6f: {  	_ =	shalt  }
0x70: {  	_ =	shalt  }
0x71: {  	_ =	shalt  }
0x72: {  	_ =	shalt  }
0x73: {  	_ =	shalt  }
0x74: {  	_ =	shalt  }
0x75: {  	_ =	shalt  }
0x76: {  	_ =	shalt  }
0x77: {  	_ =	shalt  }
0x78: {  	_ =	shalt  }
0x79: {  	_ =	shalt  }
0x7a: {  	_ =	shalt  }
0x7b: {  	_ =	shalt  }
0x7c: {  	_ =	shalt  }
0x7d: {  	_ =	shalt  }
0x7e: {  	_ =	shalt  }
0x7f: {  	_ =	shalt  }
0x80: {  	_ =	shalt  }
0x81: {  	_ =	shalt  }
0x82: {  	_ =	shalt  }
0x83: {  	_ =	shalt  }
0x84: {  	_ =	shalt  }
0x85: {  	_ =	shalt  }
0x86: {  	_ =	shalt  }
0x87: {  	_ =	shalt  }
.Lfunc_end0:
.L_simem_size_0:
called_computation_lowered:
.L_overlay_start_0:
0x88: {  	s2 =	sld [smem:$0x3FD9]  }
0x89: {  	s3 =	sld [smem:$0x3FFE];
	_ =	sdelay $0x1  }
0x8a: {  	s1 =	srdreg.scid  }
0x8b: {  	s0 =	sand.u32 $0x1, s1  }
0x8c: {  	s17 =	sshll.u32 s0, $0xA;
	s2 =	sadd.s32 s3, s2  }
0x8d: {  	s2 =	sadd.s32 s2, s17  }
0x8e: {  	[smem:$0x3FC2] =	sst s2  }
0x8f: {  	_ = 	snop  }
0x90: {  	s2 =	sld [smem:$0x3FD0];
	(tm) =	ssettm $0x1  }
0x91: {  	s18 =	sld [smem:$0x3FFB];
	_ =	sdelay $0x3  }
0x92: {  	_ =	strace s18  }
0x93: {  	s3 =	sld [smem:$0x3FFC];
	_ =	sdelay $0x3  }
0x94: {  	_ =	strace s3  }
0x95: {  	s3 =	sld [smem:$0x3FFD];
	_ =	sdelay $0x3  }
0x96: {  	_ =	strace s3  }
0x97: {  	_ =	strace $0x8FFFFFFF  }
0x98: {  	s19 =	sld [smem:$0x3FDB];
	_ =	sdelay $0x1  }
0x99: {  	s4 =	simm.s32 $_scs_section_size  }
0x9a: {  	s5 =	simm.s32 $_size__tile_overlayer_lowered;
	s6 =	simm.s32 $_tile_overlayer_lowered  }
0x9b: {  	s22 =	simm.s32 $0x1BFF;
	s21 =	sshll.u32 s6, $0x1;
	s3 =	sadd.s32 s4, s19  }
0x9c: {  	s7 =	simm.s32 $0x0;
	s20 =	sshll.u32 s5, $0x1;
	s5 =	sadd.s32 s21, s3  }
0x9d: {  	[timem:s7], [sflag:s22] =	dma.local [hbm:s5], s20  }
0x9e: {  	_ =	swait.ge [sflag:s22], s20  }
0x9f: {  	s4 =	ssub.s32 $0x0, s20;
	[sflag:s22] =	ssyncset.done $0x0  }
0xa0: {  	[sflag:s22] =	ssyncadd.s32 s4;
	_ =	sdelay $0x1  }
0xa1: {  	s23 =	simm.s32 $0x1B8B  }
0xa2: {  	_ =	swait.ge [sflag:s23], $0x1  }
0xa3: {  	[sflag:s23] =	ssyncset.done $0x0  }
0xa4: {  	s25 =	simm.s32 $0x1B8E;
	s24 =	sld [smem:$0x3FFE];
	[sflag:s23] =	ssyncadd.s32 $0xFFFFFFFF  }
0xa5: {  	s26 =	simm.s32 $execute0_lowered;
	[smem:$0x3FD2] =	sst s25  }
0xa6: {  	s5 =	sshll.u32 s26, $0x1;
	_ =	strace $0x80000046;
	[dreg:$0x1] =	wrdreg $0xFFFFFFFF  }
0xa7: {  	s28 =	simm.s32 $_size_execute0_lowered;
	s3 =	sadd.s32 s3, s5;
	[dreg:$0x0] =	wrdreg $0x0  }
0xa8: {  	s5 =	sshll.u32 s28, $0x1;
	[dreg:$0x2] =	wrdreg s3  }
0xa9: {  	[dreg:$0x3] =	wrdreg s5  }
0xaa: {  	[dreg:$0x4] =	wrdreg $0xC0  }
0xab: {  	_ =	task [dreg:s7], $0x5FFFF  }
0xac: {  	[dreg:$0x1] =	wrdreg $0xFFFFFFFF  }
0xad: {  	[dreg:$0x0] =	wrdreg $0x60  }
0xae: {  	[dreg:$0x2] =	wrdreg s24  }
0xaf: {  	[dreg:$0x3] =	wrdreg s2  }
0xb0: {  	[dreg:$0x4] =	wrdreg $0x1000  }
0xb1: {  	[dreg:$0x5] =	wrdreg $0x9  }
0xb2: {  	_ =	task.clear_ibuf [dreg:s7], $0x6FFFF;
	_ =	strace $0x90000046  }
0xb3: {  	s29 =	simm.s32 $0x9;
	_ =	strace $0x80000048  }
0xb4: {  	_ =	swait.ge [sflag:s29], $0x1  }
0xb5: {  	[sflag:s29] =	ssyncadd.s32 $0xFFFFFFFF  }
0xb6: {  	_ =	strace $0x90000048  }
0xb7: {  	_ =	sfence  }
0xb8: {  	s30 =	sld [smem:$0x0];
	_ =	sdelay $0x2  }
0xb9: {  	s31 =	sshll.u32 s1, $0xD;
	s1 =	sshrl.u32 s1, $0x2  }
0xba: {  	s3 =	sand.u32 $0x4000, s31;
	s1 =	sadd.s32 s1, s30  }
0xbb: {  	s0 =	sor.u32 s3, s0;
	s1 =	sshll.u32 s1, $0x11  }
0xbc: {  	s0 =	sor.u32 s1, s0  }
0xbd: {  	s0 =	sadd.s32 $0x8F2B, s0  }
0xbe: {  	[sflag:s0] =	ssyncadd.remote.s32 $0x1  }
0xbf: {  	_ =	sfence.sel $0xFFFF  }
0xc0: {  	[dreg:$0x0] =	wrdreg $0xFFFFFFFF;
	(pc) =	sbr.abs _section_cstart, $3  }
0xc1: {  	[dreg:$0x1] =	wrdreg $0xFFFFFFFF  }
0xc2: {  	_ =	task.clear_ibuf [dreg:s7], $0x2FFFF;
	_ =	strace $0x9FFFFFFF  }
0xc3: {  	(tm) =	ssettm $0x7FFFFFFF  }
tec
execute0_lowered:
.L_overlay_start_1:
0x0: {  	(tag) =	ssettag $0x1  }
0x1: {  	s5 =	rddreg [dreg:$0x0]  }
0x2: {  	s6 =	rddreg [dreg:$0x1]  }
0x3: {  	s1 =	rddreg [dreg:$0x2];
	s2 =	simm.s32 $0x0;
	s3 =	srdreg.scid  }
0x4: {  	[smem:$0x7FF] =	sst s2;
	s4 =	sand.u32 $0x1, s3  }
0x5: {  	s3 =	stileid.u32;
	s7 =	smul.u32 $0x4F00, s4  }
0x6: {  	s0 =	rddreg [dreg:$0x3];
	_ =	strace $0x80000047;
	s8 =	smul.u32 $0x280, s3  }
0x7: {  	s9 =	ssub.s32 $0x2, s4;
	s10 =	smul.u32 $0x2800, s4;
	s4 =	sadd.s32 $0xD200, s5  }
0x8: {  	s12 =	smul.u32 $0x4F0, s3;
	s31 =	sshll.u32 s3, $0x6;
	s11 =	sshrl.u32 s9, $0x1  }
0x9: {  	s7 =	sadd.s32 s7, s5;
	s5 =	sadd.s32 $0xD400, s5;
	s9 =	ssub.s32 s9, s11  }
0xa: {  	s10 =	sadd.s32 s8, s10;
	s13 =	sadd.s32 s8, s1;
	s11 =	sor.u32 $0x1C01, s31  }
0xb: {  	s29 =	sshrl.u32 s10, $0x3;
	s30 =	sadd.s32 s12, s7;
	s7 =	smax.u32 s9, $0x1  }
0xc: {  	s9 =	simm.s32 $0x80;
	s10 =	simm.s32 $0x1;
	s12 =	sshrl.u32 s13, $0x3  }
0xd: {  	s13 =	simm.s32 $0x0;
	s6 =	sadd.s32 s6, s29;
	s8 =	sadd.s32 $0x3400, s30  }
.LBB2_1:
0xe: {  	[tilespmem:s9], [sflag:$0x1] =	stream.linear.gather [hbm4b:s4+s2], $0x80, $0x38;
	[tilespmem:$0x380] =	vst v63  }
0xf: {  	_ =	swait.ge [sflag:s10], $0x80  }
0x10: {  	[sflag:s10] =	ssyncset.done $0x0  }
0x11: {  	[sflag:s10] =	ssyncadd.s32 $0xFFFFFF80  }
0x12: {  	[spmem:s12], [sflag:s11] =	dma.local [hbm:s5], $0x50  }
0x13: {  	_ =	swait.ge [sflag:s10], $0x50  }
0x14: {  	[sflag:s10] =	ssyncset.done $0x0  }
0x15: {  	[sflag:s10] =	ssyncadd.s32 $0xFFFFFFB0  }
0x16: {  	s14 =	sadd.s32 $0x0, s8;
	[bflag:$0x0] =	sbarrier.arrive $0xFFFF  }
0x17: {  	[tilespmem:s2], [sflag:$0x1] =	stream.linear.gather [hbm4b:s14+s2], $0x80, $0x38;
	[tilespmem:$0x380] =	vst v63  }
0x18: {  	_ =	swait.ge [sflag:s10], $0x80  }
0x19: {  	[sflag:s10] =	ssyncset.done $0x0  }
0x1a: {  	[sflag:s10] =	ssyncadd.s32 $0xFFFFFF80  }
0x1b: {  	[spmem:s1] =	stream.indirect.scatter.add.f32 [tilespmem:s9], [sflag:$0x1], $0x1, s2, s9, $0xb8;
	[tilespmem:$0x380] =	vst v63  }
0x1c: {  	_ =	swait.ge [sflag:s10], $0x80  }
0x1d: {  	s15 =	simm.s32 $0x20;
	s14 =	simm.s32 $0x10;
	[sflag:s10] =	ssyncset.done $0x0  }
.LBB2_2:
0x1e: {  	s16 =	sadd.s32 s14, s8  }
0x1f: {  	[sflag:s10] =	ssyncadd.s32 $0xFFFFFF80;
	s14 =	smov.u32 s15;
	s17 =	sadd.s32 $0x10, s15  }
0x20: {  	[tilespmem:s2], [sflag:$0x1] =	stream.linear.gather [hbm4b:s16+s2], $0x80, $0x38;
	[tilespmem:$0x380] =	vst v63  }
0x21: {  	p0 =	sne.s32 s15, $0x4E0;
	_ =	swait.ge [sflag:s10], $0x80  }
.Ltmp0:
0x22: {  	[sflag:s10] =	ssyncset.done $0x0;
	(pc) =	sbr.rel @p0 .LBB2_2-.Ltmp0, $4  }
0x23: {  	[sflag:s10] =	ssyncadd.s32 $0xFFFFFF80  }
0x24: {  	[spmem:s1] =	stream.indirect.scatter.add.f32 [tilespmem:s9], [sflag:$0x1], $0x1, s2, s9, $0xb8;
	[tilespmem:$0x380] =	vst v63  }
0x25: {  	_ =	swait.ge [sflag:s10], $0x80  }
0x26: {  	s15 =	smov.u32 s17;
	[sflag:s10] =	ssyncset.done $0x0  }
0x27: {  	s14 =	sadd.s32 s14, s8;
	[sflag:s10] =	ssyncadd.s32 $0xFFFFFF80  }
0x28: {  	[tilespmem:s2], [sflag:$0x1] =	stream.linear.gather [hbm4b:s14+s2], $0x80, $0x38;
	[tilespmem:$0x380] =	vst v63  }
0x29: {  	_ =	swait.ge [sflag:s10], $0x80  }
0x2a: {  	[sflag:s10] =	ssyncset.done $0x0  }
0x2b: {  	[sflag:s10] =	ssyncadd.s32 $0xFFFFFF80  }
0x2c: {  	[spmem:s1] =	stream.indirect.scatter.add.f32 [tilespmem:s9], [sflag:$0x1], $0x1, s2, s9, $0xb8;
	[tilespmem:$0x380] =	vst v63  }
0x2d: {  	_ =	swait.ge [sflag:s10], $0x80  }
0x2e: {  	s13 =	sadd.s32 $0x1, s13;
	[sflag:s10] =	ssyncset.done $0x0  }
0x2f: {  	p0 =	sne.s32 s13, s7;
	[sflag:s10] =	ssyncadd.s32 $0xFFFFFF80  }
.Ltmp1:
0x30: {  	[bflag:$0x0] =	sbarrier.arrive $0xFFFF;
	(pc) =	sbr.rel @p0 .LBB2_1-.Ltmp1, $4  }
0x31: {  	[hbm:s6], [sflag:s11] =	dma.local [spmem:s12], $0x50  }
0x32: {  	_ =	swait.ge [sflag:s10], $0x50  }
0x33: {  	[sflag:s10] =	ssyncset.done $0x0  }
0x34: {  	[sflag:s10] =	ssyncadd.s32 $0xFFFFFFB0  }
0x35: {  	_ =	sfence.sel $0x180000  }
0x36: {  	[bflag:$0x0] =	sbarrier.arrive $0xFFFF  }
0x37: {  	p0 =	sne.s32 s3, $0x0;
	_ =	strace $0x90000047  }
0x38: {  	s0 =	sadd.s32 @!p0 $0x100000, s0;
	[bflag:$0x2] =	sbarrier.arrive $0xFFFF  }
0x39: {  	[sflag:s0] =	ssyncadd.tile.s32 @!p0 $0x1;
	_ =	shalt  }
.Lfunc_end2:
_tile_overlayer_lowered:
.L_overlay_start_2:
0x3a: {  	(tag) =	ssettag $0x2  }
0x3b: {  	s0 =	rddreg [dreg:$0x0];
	s2 =	stileid.u32  }
0x3c: {  	s1 =	rddreg [dreg:$0x1];
	p0 =	sne.s32 s2, $0x0  }
0x3d: {  	s3 =	rddreg [dreg:$0x2];
	[bflag:$0x3] =	sbarrier.arrive $0xFFFF;
	s2 =	simm.s32 @!p0 $0x1C01  }
0x3e: {  	[timem:s3], [sflag:s2] =	dma.local @!p0 [hbm:s0], s1  }
0x3f: {  	s0 =	simm.s32 @!p0 $0x1  }
0x40: {  	_ =	swait.ge @!p0 [sflag:s0], s1  }
0x41: {  	s1 =	ssub.s32 @!p0 $0x0, s1;
	[sflag:s0] =	ssyncset.done @!p0 $0x0  }
0x42: {  	[sflag:s0] =	ssyncadd.s32 @!p0 s1  }
0x43: {  	[bflag:$0x3] =	sbarrier.arrive $0xFFFF  }
0x44: {  	_ =	shalt  }

</sc_bundles>
